<compile_context>
chip_gen: v7x
topology: tpu7x:2x2x1
jax: 0.10.2.dev20260603
libtpu: 0.0.44.dev20260713+nightly
codegen_flags: <defaults>
</compile_context>

<pallas_src>
import functools

import jax
import jax.numpy as jnp
from jax import lax
from jax.experimental import pallas as pl
from jax.experimental.pallas import tpu as pltpu
from jax.experimental.pallas import tpu_sc as plsc

NUM_CLASSES = 1000000
EMBED_DIM = 64
BATCH = 16384

NC = 2
NS = 16
NW = NC * NS
B_PER_W = BATCH // NW
NBUF = 8


def _extract_row(slice_ref, lane, rows_ref, row_off):
    lane_vec = jnp.full((16,), lane, dtype=jnp.int32)
    for j in range(EMBED_DIM // 16):
        c_vec = lax.iota(jnp.int32, 16) + 16 * j
        vals = plsc.load_gather(slice_ref, [c_vec, lane_vec])
        rows_ref[pl.ds(row_off + 16 * j, 16)] = vals


def _sc_gather(table_t, class_index):
    mesh = plsc.VectorSubcoreMesh(core_axis_name="c", subcore_axis_name="s")

    @functools.partial(
        pl.kernel,
        mesh=mesh,
        out_type=jax.ShapeDtypeStruct((BATCH * EMBED_DIM,), jnp.float32),
        scratch_types=[
            pltpu.VMEM((B_PER_W,), jnp.int32),
            [pltpu.VMEM((EMBED_DIM, 128), jnp.float32) for _ in range(NBUF)],
            pltpu.VMEM((B_PER_W * EMBED_DIM,), jnp.float32),
            [pltpu.SemaphoreType.DMA for _ in range(NBUF)],
        ],
        compiler_params=pltpu.CompilerParams(needs_layout_passes=False),
    )
    def gather(table_hbm, idx_hbm, out_hbm, idx_v, bufs, rows_v, sems):
        wid = lax.axis_index("s") * NC + lax.axis_index("c")
        base = wid * B_PER_W
        pltpu.sync_copy(idx_hbm.at[pl.ds(base, B_PER_W)], idx_v)

        def read_idx(j):
            grp = pl.multiple_of(
                lax.shift_left(lax.shift_right_logical(j, 4), 4), 16
            )
            vec = idx_v[pl.ds(grp, 16)]
            lane = lax.iota(jnp.int32, 16)
            sel = jnp.where(lane == (j & 15), vec, 0)
            return jnp.sum(sel)

        def fire(j, b):
            r = read_idx(j)
            q = pl.multiple_of(lax.shift_left(lax.shift_right_logical(r, 7), 7), 128)
            pltpu.async_copy(table_hbm.at[:, pl.ds(q, 128)], bufs[b], sems[b])

        def drain(b):
            pltpu.make_async_copy(
                table_hbm.at[:, pl.ds(0, 128)], bufs[b], sems[b]
            ).wait()

        for b in range(NBUF):
            fire(b, b)

        def body(k, carry):
            for b in range(NBUF):
                j = jnp.minimum(NBUF * k + b, B_PER_W - 1)
                drain(b)
                _extract_row(bufs[b], read_idx(j) & 127, rows_v, j * EMBED_DIM)
                fire(jnp.minimum(j + NBUF, B_PER_W - 1), b)
            return carry

        lax.fori_loop(0, (B_PER_W + NBUF - 1) // NBUF, body, 0)
        for b in range(NBUF):
            drain(b)
        pltpu.sync_copy(rows_v, out_hbm.at[pl.ds(base * EMBED_DIM, B_PER_W * EMBED_DIM)])

    return gather(table_t, class_index)


def _mlp_body(emb_ref, w1_ref, b1_ref, w2_ref, b2_ref, out_ref):
    x = emb_ref[...]
    h = jnp.dot(x, w1_ref[...], preferred_element_type=jnp.float32) + b1_ref[...]
    h = h * jax.nn.sigmoid(h)
    out = jnp.dot(h, w2_ref[...], preferred_element_type=jnp.float32) + b2_ref[...]
    out_ref[...] = out.T


def _tc_mlp(emb, W1, b1, W2, b2):
    blk = 2048
    grid = (BATCH // blk,)
    return pl.pallas_call(
        _mlp_body,
        grid=grid,
        in_specs=[
            pl.BlockSpec((blk, EMBED_DIM), lambda i: (i, 0)),
            pl.BlockSpec((EMBED_DIM, EMBED_DIM), lambda i: (0, 0)),
            pl.BlockSpec((1, EMBED_DIM), lambda i: (0, 0)),
            pl.BlockSpec((EMBED_DIM, EMBED_DIM), lambda i: (0, 0)),
            pl.BlockSpec((1, EMBED_DIM), lambda i: (0, 0)),
        ],
        out_specs=pl.BlockSpec((EMBED_DIM, blk), lambda i: (0, i)),
        out_shape=jax.ShapeDtypeStruct((EMBED_DIM, BATCH), jnp.float32),
        compiler_params=pltpu.CompilerParams(
            dimension_semantics=("arbitrary",),
        ),
    )(emb, W1, b1.reshape(1, EMBED_DIM), W2, b2.reshape(1, EMBED_DIM))


def kernel(class_index, table, W1, b1, W2, b2):
    emb_flat = _sc_gather(table.T, class_index.astype(jnp.int32))
    emb = emb_flat.reshape(BATCH, EMBED_DIM)
    return _tc_mlp(emb, W1, b1, W2, b2).T

# --- scband reference (transcript-rebuilt; emitter-appended) ---
"""Pipeline reference for scband-index-conditioned-embedding-50242527429072 (READ-ONLY COPY).

The authoritative reference and input builder live on the scoring server;
editing this copy changes nothing except your own understanding.
"""

import jax, jax.numpy as jnp
import numpy as np

NUM_CLASSES = 1000000
EMBED_DIM = 64
BATCH = 16384

def setup_inputs(seed: int = 0) -> dict:
    key = jax.random.key(seed)
    k_idx, k_tab, k_w1, k_b1, k_w2, k_b2 = jax.random.split(key, 6)
    class_index = jax.random.randint(k_idx, (BATCH,), 0, NUM_CLASSES, dtype=jnp.int64 if jax.config.jax_enable_x64 else jnp.int32)
    table = jax.random.normal(k_tab, (NUM_CLASSES, EMBED_DIM), dtype=jnp.float32) * 0.02
    scale = 1.0 / np.sqrt(EMBED_DIM)
    W1 = jax.random.uniform(k_w1, (EMBED_DIM, EMBED_DIM), dtype=jnp.float32, minval=-scale, maxval=scale)
    b1 = jax.random.uniform(k_b1, (EMBED_DIM,), dtype=jnp.float32, minval=-scale, maxval=scale)
    W2 = jax.random.uniform(k_w2, (EMBED_DIM, EMBED_DIM), dtype=jnp.float32, minval=-scale, maxval=scale)
    b2 = jax.random.uniform(k_b2, (EMBED_DIM,), dtype=jnp.float32, minval=-scale, maxval=scale)
    return {"class_index": class_index, "table": table, "W1": W1, "b1": b1, "W2": W2, "b2": b2}

def silu(x):
    return x * jax.nn.sigmoid(x)

def reference(class_index, table, W1, b1, W2, b2):
    emb = jnp.take(table, class_index, axis=0)
    h = silu(emb @ W1 + b1)
    out = h @ W2 + b2
    return out

if __name__ == "__main__":
    import jax
    _d = setup_inputs()
    print(jax.jit(kernel)(*tuple(_d.values())))

</pallas_src>

<mosaic_0001>
#map = affine_map<(d0, d1) -> (0, 0)>
#map1 = affine_map<(d0, d1) -> (0)>
module attributes {stable_mosaic.version = 14 : i64} {
  func.func @gather(%arg0: i32, %arg1: i32, %arg2: memref<64x1000000xf32, #tpu.memory_space<hbm>>, %arg3: memref<16384xi32, #tpu.memory_space<hbm>>, %arg4: memref<1048576xf32, #tpu.memory_space<hbm>>, %arg5: memref<512xi32, #tpu.memory_space<vmem>>, %arg6: memref<64x128xf32, #tpu.memory_space<vmem>>, %arg7: memref<64x128xf32, #tpu.memory_space<vmem>>, %arg8: memref<64x128xf32, #tpu.memory_space<vmem>>, %arg9: memref<64x128xf32, #tpu.memory_space<vmem>>, %arg10: memref<64x128xf32, #tpu.memory_space<vmem>>, %arg11: memref<64x128xf32, #tpu.memory_space<vmem>>, %arg12: memref<64x128xf32, #tpu.memory_space<vmem>>, %arg13: memref<64x128xf32, #tpu.memory_space<vmem>>, %arg14: memref<32768xf32, #tpu.memory_space<vmem>>, %arg15: memref<!tpu.dma_semaphore, #tpu.memory_space<semaphore_mem>>, %arg16: memref<!tpu.dma_semaphore, #tpu.memory_space<semaphore_mem>>, %arg17: memref<!tpu.dma_semaphore, #tpu.memory_space<semaphore_mem>>, %arg18: memref<!tpu.dma_semaphore, #tpu.memory_space<semaphore_mem>>, %arg19: memref<!tpu.dma_semaphore, #tpu.memory_space<semaphore_mem>>, %arg20: memref<!tpu.dma_semaphore, #tpu.memory_space<semaphore_mem>>, %arg21: memref<!tpu.dma_semaphore, #tpu.memory_space<semaphore_mem>>, %arg22: memref<!tpu.dma_semaphore, #tpu.memory_space<semaphore_mem>>) attributes {dimension_semantics = [#tpu.dimension_semantics<core_parallel>, #tpu.dimension_semantics<subcore_parallel>], iteration_bounds = array<i64: 2, 16>, scalar_prefetch = 0 : i64, scratch_operands = 18 : i64, tpu.core_type = #tpu.core_type<sc_vector_subcore>, window_params = [{transform_indices = #map}, {transform_indices = #map1}, {transform_indices = #map1}]} {
    %mul3A = arith.constant 2 : i32
    %mul3A_0 = arith.muli %arg1, %mul3A : i32
    %add3A = arith.addi %mul3A_0, %arg0 : i32
    %mul3A_1 = arith.constant 512 : i32
    %mul3A_2 = arith.muli %add3A, %mul3A_1 : i32
    "tpu.region"() ({
      %run_scoped3A = tpu.sem_alloc : memref<!tpu.dma_semaphore, #tpu.memory_space<semaphore_mem>>
      %dma_start3A_270 = tpu.memref_slice %arg3[%mul3A_2] : memref<16384xi32, #tpu.memory_space<hbm>> -> memref<512xi32, #tpu.memory_space<hbm>>
      %dma_start3A_271 = tpu.memref_slice %arg3[%mul3A_2] : memref<16384xi32, #tpu.memory_space<hbm>> -> memref<512xi32, #tpu.memory_space<hbm>>
      tpu.enqueue_dma source(%dma_start3A_271 : memref<512xi32, #tpu.memory_space<hbm>>) target(%arg5 : memref<512xi32, #tpu.memory_space<vmem>>) target_semaphore(%run_scoped3A : memref<!tpu.dma_semaphore, #tpu.memory_space<semaphore_mem>>)
      %dma_wait3A_272 = tpu.memref_slice %arg3[%mul3A_2] : memref<16384xi32, #tpu.memory_space<hbm>> -> memref<512xi32, #tpu.memory_space<hbm>>
      %dma_wait3A_273 = tpu.memref_slice %arg3[%mul3A_2] : memref<16384xi32, #tpu.memory_space<hbm>> -> memref<512xi32, #tpu.memory_space<hbm>>
      tpu.wait_dma2 semaphore(%run_scoped3A : memref<!tpu.dma_semaphore, #tpu.memory_space<semaphore_mem>>) src(%dma_wait3A_273 : memref<512xi32, #tpu.memory_space<hbm>>) dst(%arg5 : memref<512xi32, #tpu.memory_space<vmem>>)
      tpu.yield
    }) : () -> ()
    %shift_right_logical3A = arith.constant 0 : i32
    %shift_right_logical3A_3 = arith.constant 4 : i32
    %shift_right_logical3A_4 = arith.shrui %shift_right_logical3A, %shift_right_logical3A_3 : i32
    %shift_left3A = arith.constant 4 : i32
    %shift_left3A_5 = arith.shli %shift_right_logical3A_4, %shift_left3A : i32
    %multiple_of3A = tpu.assume_multiple %shift_left3A_5, 16 : i32
    %get3A = arith.index_cast %multiple_of3A : i32 to index
    %get3A_6 = tpu.vector_load %arg5[%get3A] {strides = array<i32>} : memref<512xi32, #tpu.memory_space<vmem>>, vector<16xi32>,
    %iota3A = tpu.iota {dimensions = array<i32: 0>} : vector<16xi32>
    %eq3A = arith.constant 0 : i32
    %eq3A_7 = vector.broadcast %eq3A : i32 to vector<16xi32>
    %eq3A_8 = arith.cmpi eq, %iota3A, %eq3A_7 : vector<16xi32>
    %jit3A = arith.constant 0 : i32
    %broadcast_in_dim3A = vector.broadcast %jit3A : i32 to vector<16xi32>
    %select_n3A = arith.select %eq3A_8, %get3A_6, %broadcast_in_dim3A : vector<16xi1>, vector<16xi32>
    %reduce_sum3A = arith.constant true
    %reduce_sum3A_9 = vector.broadcast %reduce_sum3A : i1 to vector<16xi1>
    %reduce_sum3A_10 = tpu.scan <sum>, %select_n3A masked %reduce_sum3A_9 : vector<16xi32>, vector<16xi1> -> vector<16xi32>
    %reduce_sum3A_11 = vector.extract %reduce_sum3A_10[15] : i32 from vector<16xi32>
    %shift_right_logical3A_12 = arith.constant 7 : i32
    %shift_right_logical3A_13 = arith.shrui %reduce_sum3A_11, %shift_right_logical3A_12 : i32
    %shift_left3A_14 = arith.constant 7 : i32
    %shift_left3A_15 = arith.shli %shift_right_logical3A_13, %shift_left3A_14 : i32
    %multiple_of3A_16 = tpu.assume_multiple %shift_left3A_15, 128 : i32
    %dma_start3A = arith.constant 0 : i32
    %dma_start3A_17 = tpu.memref_slice %arg2[%dma_start3A, %multiple_of3A_16] : memref<64x1000000xf32, #tpu.memory_space<hbm>> -> memref<64x128xf32, #tpu.memory_space<hbm>>
    %dma_start3A_18 = arith.constant 0 : i32
    %dma_start3A_19 = tpu.memref_slice %arg2[%dma_start3A_18, %multiple_of3A_16] : memref<64x1000000xf32, #tpu.memory_space<hbm>> -> memref<64x128xf32, #tpu.memory_space<hbm>>
    tpu.enqueue_dma source(%dma_start3A_19 : memref<64x128xf32, #tpu.memory_space<hbm>>) target(%arg6 : memref<64x128xf32, #tpu.memory_space<vmem>>) target_semaphore(%arg15 : memref<!tpu.dma_semaphore, #tpu.memory_space<semaphore_mem>>)
    %shift_right_logical3A_20 = arith.constant 1 : i32
    %shift_right_logical3A_21 = arith.constant 4 : i32
    %shift_right_logical3A_22 = arith.shrui %shift_right_logical3A_20, %shift_right_logical3A_21 : i32
    %shift_left3A_23 = arith.constant 4 : i32
    %shift_left3A_24 = arith.shli %shift_right_logical3A_22, %shift_left3A_23 : i32
    %multiple_of3A_25 = tpu.assume_multiple %shift_left3A_24, 16 : i32
    %get3A_26 = arith.index_cast %multiple_of3A_25 : i32 to index
    %get3A_27 = tpu.vector_load %arg5[%get3A_26] {strides = array<i32>} : memref<512xi32, #tpu.memory_space<vmem>>, vector<16xi32>,
    %iota3A_28 = tpu.iota {dimensions = array<i32: 0>} : vector<16xi32>
    %eq3A_29 = arith.constant 1 : i32
    %eq3A_30 = vector.broadcast %eq3A_29 : i32 to vector<16xi32>
    %eq3A_31 = arith.cmpi eq, %iota3A_28, %eq3A_30 : vector<16xi32>
    %jit3A_32 = arith.constant 0 : i32
    %broadcast_in_dim3A_33 = vector.broadcast %jit3A_32 : i32 to vector<16xi32>
    %select_n3A_34 = arith.select %eq3A_31, %get3A_27, %broadcast_in_dim3A_33 : vector<16xi1>, vector<16xi32>
    %reduce_sum3A_35 = arith.constant true
    %reduce_sum3A_36 = vector.broadcast %reduce_sum3A_35 : i1 to vector<16xi1>
    %reduce_sum3A_37 = tpu.scan <sum>, %select_n3A_34 masked %reduce_sum3A_36 : vector<16xi32>, vector<16xi1> -> vector<16xi32>
    %reduce_sum3A_38 = vector.extract %reduce_sum3A_37[15] : i32 from vector<16xi32>
    %shift_right_logical3A_39 = arith.constant 7 : i32
    %shift_right_logical3A_40 = arith.shrui %reduce_sum3A_38, %shift_right_logical3A_39 : i32
    %shift_left3A_41 = arith.constant 7 : i32
    %shift_left3A_42 = arith.shli %shift_right_logical3A_40, %shift_left3A_41 : i32
    %multiple_of3A_43 = tpu.assume_multiple %shift_left3A_42, 128 : i32
    %dma_start3A_44 = arith.constant 0 : i32
    %dma_start3A_45 = tpu.memref_slice %arg2[%dma_start3A_44, %multiple_of3A_43] : memref<64x1000000xf32, #tpu.memory_space<hbm>> -> memref<64x128xf32, #tpu.memory_space<hbm>>
    %dma_start3A_46 = arith.constant 0 : i32
    %dma_start3A_47 = tpu.memref_slice %arg2[%dma_start3A_46, %multiple_of3A_43] : memref<64x1000000xf32, #tpu.memory_space<hbm>> -> memref<64x128xf32, #tpu.memory_space<hbm>>
    tpu.enqueue_dma source(%dma_start3A_47 : memref<64x128xf32, #tpu.memory_space<hbm>>) target(%arg7 : memref<64x128xf32, #tpu.memory_space<vmem>>) target_semaphore(%arg16 : memref<!tpu.dma_semaphore, #tpu.memory_space<semaphore_mem>>)
    %shift_right_logical3A_48 = arith.constant 2 : i32
    %shift_right_logical3A_49 = arith.constant 4 : i32
    %shift_right_logical3A_50 = arith.shrui %shift_right_logical3A_48, %shift_right_logical3A_49 : i32
    %shift_left3A_51 = arith.constant 4 : i32
    %shift_left3A_52 = arith.shli %shift_right_logical3A_50, %shift_left3A_51 : i32
    %multiple_of3A_53 = tpu.assume_multiple %shift_left3A_52, 16 : i32
    %get3A_54 = arith.index_cast %multiple_of3A_53 : i32 to index
    %get3A_55 = tpu.vector_load %arg5[%get3A_54] {strides = array<i32>} : memref<512xi32, #tpu.memory_space<vmem>>, vector<16xi32>,
    %iota3A_56 = tpu.iota {dimensions = array<i32: 0>} : vector<16xi32>
    %eq3A_57 = arith.constant 2 : i32
    %eq3A_58 = vector.broadcast %eq3A_57 : i32 to vector<16xi32>
    %eq3A_59 = arith.cmpi eq, %iota3A_56, %eq3A_58 : vector<16xi32>
    %jit3A_60 = arith.constant 0 : i32
    %broadcast_in_dim3A_61 = vector.broadcast %jit3A_60 : i32 to vector<16xi32>
    %select_n3A_62 = arith.select %eq3A_59, %get3A_55, %broadcast_in_dim3A_61 : vector<16xi1>, vector<16xi32>
    %reduce_sum3A_63 = arith.constant true
    %reduce_sum3A_64 = vector.broadcast %reduce_sum3A_63 : i1 to vector<16xi1>
    %reduce_sum3A_65 = tpu.scan <sum>, %select_n3A_62 masked %reduce_sum3A_64 : vector<16xi32>, vector<16xi1> -> vector<16xi32>
    %reduce_sum3A_66 = vector.extract %reduce_sum3A_65[15] : i32 from vector<16xi32>
    %shift_right_logical3A_67 = arith.constant 7 : i32
    %shift_right_logical3A_68 = arith.shrui %reduce_sum3A_66, %shift_right_logical3A_67 : i32
    %shift_left3A_69 = arith.constant 7 : i32
    %shift_left3A_70 = arith.shli %shift_right_logical3A_68, %shift_left3A_69 : i32
    %multiple_of3A_71 = tpu.assume_multiple %shift_left3A_70, 128 : i32
    %dma_start3A_72 = arith.constant 0 : i32
    %dma_start3A_73 = tpu.memref_slice %arg2[%dma_start3A_72, %multiple_of3A_71] : memref<64x1000000xf32, #tpu.memory_space<hbm>> -> memref<64x128xf32, #tpu.memory_space<hbm>>
    %dma_start3A_74 = arith.constant 0 : i32
    %dma_start3A_75 = tpu.memref_slice %arg2[%dma_start3A_74, %multiple_of3A_71] : memref<64x1000000xf32, #tpu.memory_space<hbm>> -> memref<64x128xf32, #tpu.memory_space<hbm>>
    tpu.enqueue_dma source(%dma_start3A_75 : memref<64x128xf32, #tpu.memory_space<hbm>>) target(%arg8 : memref<64x128xf32, #tpu.memory_space<vmem>>) target_semaphore(%arg17 : memref<!tpu.dma_semaphore, #tpu.memory_space<semaphore_mem>>)
    %shift_right_logical3A_76 = arith.constant 3 : i32
    %shift_right_logical3A_77 = arith.constant 4 : i32
    %shift_right_logical3A_78 = arith.shrui %shift_right_logical3A_76, %shift_right_logical3A_77 : i32
    %shift_left3A_79 = arith.constant 4 : i32
    %shift_left3A_80 = arith.shli %shift_right_logical3A_78, %shift_left3A_79 : i32
    %multiple_of3A_81 = tpu.assume_multiple %shift_left3A_80, 16 : i32
    %get3A_82 = arith.index_cast %multiple_of3A_81 : i32 to index
    %get3A_83 = tpu.vector_load %arg5[%get3A_82] {strides = array<i32>} : memref<512xi32, #tpu.memory_space<vmem>>, vector<16xi32>,
    %iota3A_84 = tpu.iota {dimensions = array<i32: 0>} : vector<16xi32>
    %eq3A_85 = arith.constant 3 : i32
    %eq3A_86 = vector.broadcast %eq3A_85 : i32 to vector<16xi32>
    %eq3A_87 = arith.cmpi eq, %iota3A_84, %eq3A_86 : vector<16xi32>
    %jit3A_88 = arith.constant 0 : i32
    %broadcast_in_dim3A_89 = vector.broadcast %jit3A_88 : i32 to vector<16xi32>
    %select_n3A_90 = arith.select %eq3A_87, %get3A_83, %broadcast_in_dim3A_89 : vector<16xi1>, vector<16xi32>
    %reduce_sum3A_91 = arith.constant true
    %reduce_sum3A_92 = vector.broadcast %reduce_sum3A_91 : i1 to vector<16xi1>
    %reduce_sum3A_93 = tpu.scan <sum>, %select_n3A_90 masked %reduce_sum3A_92 : vector<16xi32>, vector<16xi1> -> vector<16xi32>
    %reduce_sum3A_94 = vector.extract %reduce_sum3A_93[15] : i32 from vector<16xi32>
    %shift_right_logical3A_95 = arith.constant 7 : i32
    %shift_right_logical3A_96 = arith.shrui %reduce_sum3A_94, %shift_right_logical3A_95 : i32
    %shift_left3A_97 = arith.constant 7 : i32
    %shift_left3A_98 = arith.shli %shift_right_logical3A_96, %shift_left3A_97 : i32
    %multiple_of3A_99 = tpu.assume_multiple %shift_left3A_98, 128 : i32
    %dma_start3A_100 = arith.constant 0 : i32
    %dma_start3A_101 = tpu.memref_slice %arg2[%dma_start3A_100, %multiple_of3A_99] : memref<64x1000000xf32, #tpu.memory_space<hbm>> -> memref<64x128xf32, #tpu.memory_space<hbm>>
    %dma_start3A_102 = arith.constant 0 : i32
    %dma_start3A_103 = tpu.memref_slice %arg2[%dma_start3A_102, %multiple_of3A_99] : memref<64x1000000xf32, #tpu.memory_space<hbm>> -> memref<64x128xf32, #tpu.memory_space<hbm>>
    tpu.enqueue_dma source(%dma_start3A_103 : memref<64x128xf32, #tpu.memory_space<hbm>>) target(%arg9 : memref<64x128xf32, #tpu.memory_space<vmem>>) target_semaphore(%arg18 : memref<!tpu.dma_semaphore, #tpu.memory_space<semaphore_mem>>)
    %shift_right_logical3A_104 = arith.constant 4 : i32
    %shift_right_logical3A_105 = arith.constant 4 : i32
    %shift_right_logical3A_106 = arith.shrui %shift_right_logical3A_104, %shift_right_logical3A_105 : i32
    %shift_left3A_107 = arith.constant 4 : i32
    %shift_left3A_108 = arith.shli %shift_right_logical3A_106, %shift_left3A_107 : i32
    %multiple_of3A_109 = tpu.assume_multiple %shift_left3A_108, 16 : i32
    %get3A_110 = arith.index_cast %multiple_of3A_109 : i32 to index
    %get3A_111 = tpu.vector_load %arg5[%get3A_110] {strides = array<i32>} : memref<512xi32, #tpu.memory_space<vmem>>, vector<16xi32>,
    %iota3A_112 = tpu.iota {dimensions = array<i32: 0>} : vector<16xi32>
    %eq3A_113 = arith.constant 4 : i32
    %eq3A_114 = vector.broadcast %eq3A_113 : i32 to vector<16xi32>
    %eq3A_115 = arith.cmpi eq, %iota3A_112, %eq3A_114 : vector<16xi32>
    %jit3A_116 = arith.constant 0 : i32
    %broadcast_in_dim3A_117 = vector.broadcast %jit3A_116 : i32 to vector<16xi32>
    %select_n3A_118 = arith.select %eq3A_115, %get3A_111, %broadcast_in_dim3A_117 : vector<16xi1>, vector<16xi32>
    %reduce_sum3A_119 = arith.constant true
    %reduce_sum3A_120 = vector.broadcast %reduce_sum3A_119 : i1 to vector<16xi1>
    %reduce_sum3A_121 = tpu.scan <sum>, %select_n3A_118 masked %reduce_sum3A_120 : vector<16xi32>, vector<16xi1> -> vector<16xi32>
    %reduce_sum3A_122 = vector.extract %reduce_sum3A_121[15] : i32 from vector<16xi32>
    %shift_right_logical3A_123 = arith.constant 7 : i32
    %shift_right_logical3A_124 = arith.shrui %reduce_sum3A_122, %shift_right_logical3A_123 : i32
    %shift_left3A_125 = arith.constant 7 : i32
    %shift_left3A_126 = arith.shli %shift_right_logical3A_124, %shift_left3A_125 : i32
    %multiple_of3A_127 = tpu.assume_multiple %shift_left3A_126, 128 : i32
    %dma_start3A_128 = arith.constant 0 : i32
    %dma_start3A_129 = tpu.memref_slice %arg2[%dma_start3A_128, %multiple_of3A_127] : memref<64x1000000xf32, #tpu.memory_space<hbm>> -> memref<64x128xf32, #tpu.memory_space<hbm>>
    %dma_start3A_130 = arith.constant 0 : i32
    %dma_start3A_131 = tpu.memref_slice %arg2[%dma_start3A_130, %multiple_of3A_127] : memref<64x1000000xf32, #tpu.memory_space<hbm>> -> memref<64x128xf32, #tpu.memory_space<hbm>>
    tpu.enqueue_dma source(%dma_start3A_131 : memref<64x128xf32, #tpu.memory_space<hbm>>) target(%arg10 : memref<64x128xf32, #tpu.memory_space<vmem>>) target_semaphore(%arg19 : memref<!tpu.dma_semaphore, #tpu.memory_space<semaphore_mem>>)
    %shift_right_logical3A_132 = arith.constant 5 : i32
    %shift_right_logical3A_133 = arith.constant 4 : i32
    %shift_right_logical3A_134 = arith.shrui %shift_right_logical3A_132, %shift_right_logical3A_133 : i32
    %shift_left3A_135 = arith.constant 4 : i32
    %shift_left3A_136 = arith.shli %shift_right_logical3A_134, %shift_left3A_135 : i32
    %multiple_of3A_137 = tpu.assume_multiple %shift_left3A_136, 16 : i32
    %get3A_138 = arith.index_cast %multiple_of3A_137 : i32 to index
    %get3A_139 = tpu.vector_load %arg5[%get3A_138] {strides = array<i32>} : memref<512xi32, #tpu.memory_space<vmem>>, vector<16xi32>,
    %iota3A_140 = tpu.iota {dimensions = array<i32: 0>} : vector<16xi32>
    %eq3A_141 = arith.constant 5 : i32
    %eq3A_142 = vector.broadcast %eq3A_141 : i32 to vector<16xi32>
    %eq3A_143 = arith.cmpi eq, %iota3A_140, %eq3A_142 : vector<16xi32>
    %jit3A_144 = arith.constant 0 : i32
    %broadcast_in_dim3A_145 = vector.broadcast %jit3A_144 : i32 to vector<16xi32>
    %select_n3A_146 = arith.select %eq3A_143, %get3A_139, %broadcast_in_dim3A_145 : vector<16xi1>, vector<16xi32>
    %reduce_sum3A_147 = arith.constant true
    %reduce_sum3A_148 = vector.broadcast %reduce_sum3A_147 : i1 to vector<16xi1>
    %reduce_sum3A_149 = tpu.scan <sum>, %select_n3A_146 masked %reduce_sum3A_148 : vector<16xi32>, vector<16xi1> -> vector<16xi32>
    %reduce_sum3A_150 = vector.extract %reduce_sum3A_149[15] : i32 from vector<16xi32>
    %shift_right_logical3A_151 = arith.constant 7 : i32
    %shift_right_logical3A_152 = arith.shrui %reduce_sum3A_150, %shift_right_logical3A_151 : i32
    %shift_left3A_153 = arith.constant 7 : i32
    %shift_left3A_154 = arith.shli %shift_right_logical3A_152, %shift_left3A_153 : i32
    %multiple_of3A_155 = tpu.assume_multiple %shift_left3A_154, 128 : i32
    %dma_start3A_156 = arith.constant 0 : i32
    %dma_start3A_157 = tpu.memref_slice %arg2[%dma_start3A_156, %multiple_of3A_155] : memref<64x1000000xf32, #tpu.memory_space<hbm>> -> memref<64x128xf32, #tpu.memory_space<hbm>>
    %dma_start3A_158 = arith.constant 0 : i32
    %dma_start3A_159 = tpu.memref_slice %arg2[%dma_start3A_158, %multiple_of3A_155] : memref<64x1000000xf32, #tpu.memory_space<hbm>> -> memref<64x128xf32, #tpu.memory_space<hbm>>
    tpu.enqueue_dma source(%dma_start3A_159 : memref<64x128xf32, #tpu.memory_space<hbm>>) target(%arg11 : memref<64x128xf32, #tpu.memory_space<vmem>>) target_semaphore(%arg20 : memref<!tpu.dma_semaphore, #tpu.memory_space<semaphore_mem>>)
    %shift_right_logical3A_160 = arith.constant 6 : i32
    %shift_right_logical3A_161 = arith.constant 4 : i32
    %shift_right_logical3A_162 = arith.shrui %shift_right_logical3A_160, %shift_right_logical3A_161 : i32
    %shift_left3A_163 = arith.constant 4 : i32
    %shift_left3A_164 = arith.shli %shift_right_logical3A_162, %shift_left3A_163 : i32
    %multiple_of3A_165 = tpu.assume_multiple %shift_left3A_164, 16 : i32
    %get3A_166 = arith.index_cast %multiple_of3A_165 : i32 to index
    %get3A_167 = tpu.vector_load %arg5[%get3A_166] {strides = array<i32>} : memref<512xi32, #tpu.memory_space<vmem>>, vector<16xi32>,
    %iota3A_168 = tpu.iota {dimensions = array<i32: 0>} : vector<16xi32>
    %eq3A_169 = arith.constant 6 : i32
    %eq3A_170 = vector.broadcast %eq3A_169 : i32 to vector<16xi32>
    %eq3A_171 = arith.cmpi eq, %iota3A_168, %eq3A_170 : vector<16xi32>
    %jit3A_172 = arith.constant 0 : i32
    %broadcast_in_dim3A_173 = vector.broadcast %jit3A_172 : i32 to vector<16xi32>
    %select_n3A_174 = arith.select %eq3A_171, %get3A_167, %broadcast_in_dim3A_173 : vector<16xi1>, vector<16xi32>
    %reduce_sum3A_175 = arith.constant true
    %reduce_sum3A_176 = vector.broadcast %reduce_sum3A_175 : i1 to vector<16xi1>
    %reduce_sum3A_177 = tpu.scan <sum>, %select_n3A_174 masked %reduce_sum3A_176 : vector<16xi32>, vector<16xi1> -> vector<16xi32>
    %reduce_sum3A_178 = vector.extract %reduce_sum3A_177[15] : i32 from vector<16xi32>
    %shift_right_logical3A_179 = arith.constant 7 : i32
    %shift_right_logical3A_180 = arith.shrui %reduce_sum3A_178, %shift_right_logical3A_179 : i32
    %shift_left3A_181 = arith.constant 7 : i32
    %shift_left3A_182 = arith.shli %shift_right_logical3A_180, %shift_left3A_181 : i32
    %multiple_of3A_183 = tpu.assume_multiple %shift_left3A_182, 128 : i32
    %dma_start3A_184 = arith.constant 0 : i32
    %dma_start3A_185 = tpu.memref_slice %arg2[%dma_start3A_184, %multiple_of3A_183] : memref<64x1000000xf32, #tpu.memory_space<hbm>> -> memref<64x128xf32, #tpu.memory_space<hbm>>
    %dma_start3A_186 = arith.constant 0 : i32
    %dma_start3A_187 = tpu.memref_slice %arg2[%dma_start3A_186, %multiple_of3A_183] : memref<64x1000000xf32, #tpu.memory_space<hbm>> -> memref<64x128xf32, #tpu.memory_space<hbm>>
    tpu.enqueue_dma source(%dma_start3A_187 : memref<64x128xf32, #tpu.memory_space<hbm>>) target(%arg12 : memref<64x128xf32, #tpu.memory_space<vmem>>) target_semaphore(%arg21 : memref<!tpu.dma_semaphore, #tpu.memory_space<semaphore_mem>>)
    %shift_right_logical3A_188 = arith.constant 7 : i32
    %shift_right_logical3A_189 = arith.constant 4 : i32
    %shift_right_logical3A_190 = arith.shrui %shift_right_logical3A_188, %shift_right_logical3A_189 : i32
    %shift_left3A_191 = arith.constant 4 : i32
    %shift_left3A_192 = arith.shli %shift_right_logical3A_190, %shift_left3A_191 : i32
    %multiple_of3A_193 = tpu.assume_multiple %shift_left3A_192, 16 : i32
    %get3A_194 = arith.index_cast %multiple_of3A_193 : i32 to index
    %get3A_195 = tpu.vector_load %arg5[%get3A_194] {strides = array<i32>} : memref<512xi32, #tpu.memory_space<vmem>>, vector<16xi32>,
    %iota3A_196 = tpu.iota {dimensions = array<i32: 0>} : vector<16xi32>
    %eq3A_197 = arith.constant 7 : i32
    %eq3A_198 = vector.broadcast %eq3A_197 : i32 to vector<16xi32>
    %eq3A_199 = arith.cmpi eq, %iota3A_196, %eq3A_198 : vector<16xi32>
    %jit3A_200 = arith.constant 0 : i32
    %broadcast_in_dim3A_201 = vector.broadcast %jit3A_200 : i32 to vector<16xi32>
    %select_n3A_202 = arith.select %eq3A_199, %get3A_195, %broadcast_in_dim3A_201 : vector<16xi1>, vector<16xi32>
    %reduce_sum3A_203 = arith.constant true
    %reduce_sum3A_204 = vector.broadcast %reduce_sum3A_203 : i1 to vector<16xi1>
    %reduce_sum3A_205 = tpu.scan <sum>, %select_n3A_202 masked %reduce_sum3A_204 : vector<16xi32>, vector<16xi1> -> vector<16xi32>
    %reduce_sum3A_206 = vector.extract %reduce_sum3A_205[15] : i32 from vector<16xi32>
    %shift_right_logical3A_207 = arith.constant 7 : i32
    %shift_right_logical3A_208 = arith.shrui %reduce_sum3A_206, %shift_right_logical3A_207 : i32
    %shift_left3A_209 = arith.constant 7 : i32
    %shift_left3A_210 = arith.shli %shift_right_logical3A_208, %shift_left3A_209 : i32
    %multiple_of3A_211 = tpu.assume_multiple %shift_left3A_210, 128 : i32
    %dma_start3A_212 = arith.constant 0 : i32
    %dma_start3A_213 = tpu.memref_slice %arg2[%dma_start3A_212, %multiple_of3A_211] : memref<64x1000000xf32, #tpu.memory_space<hbm>> -> memref<64x128xf32, #tpu.memory_space<hbm>>
    %dma_start3A_214 = arith.constant 0 : i32
    %dma_start3A_215 = tpu.memref_slice %arg2[%dma_start3A_214, %multiple_of3A_211] : memref<64x1000000xf32, #tpu.memory_space<hbm>> -> memref<64x128xf32, #tpu.memory_space<hbm>>
    tpu.enqueue_dma source(%dma_start3A_215 : memref<64x128xf32, #tpu.memory_space<hbm>>) target(%arg13 : memref<64x128xf32, #tpu.memory_space<vmem>>) target_semaphore(%arg22 : memref<!tpu.dma_semaphore, #tpu.memory_space<semaphore_mem>>)
    %scan3A = arith.constant 0 : i32
    %scan3A_216 = arith.constant 0 : i32
    %scan3A_217 = arith.constant 64 : i32
    %scan3A_218 = arith.addi %scan3A_216, %scan3A_217 : i32
    %scan3A_219 = arith.constant 1 : i32
    scf.for %scan3A_270 = %scan3A_216 to %scan3A_218 step %scan3A_219  : i32 {
      %mul3A_271 = arith.constant 8 : i32
      %mul3A_272 = arith.muli %mul3A_271, %scan3A_270 : i32
      %add3A_273 = arith.constant 0 : i32
      %add3A_274 = arith.addi %mul3A_272, %add3A_273 : i32
      %min3A = arith.constant 511 : i32
      %min3A_275 = arith.minsi %add3A_274, %min3A : i32
      %dma_wait3A_276 = arith.constant 0 : i32
      %dma_wait3A_277 = arith.constant 0 : i32
      %dma_wait3A_278 = tpu.memref_slice %arg2[%dma_wait3A_276, %dma_wait3A_277] : memref<64x1000000xf32, #tpu.memory_space<hbm>> -> memref<64x128xf32, #tpu.memory_space<hbm>>
      %dma_wait3A_279 = arith.constant 0 : i32
      %dma_wait3A_280 = arith.constant 0 : i32
      %dma_wait3A_281 = tpu.memref_slice %arg2[%dma_wait3A_279, %dma_wait3A_280] : memref<64x1000000xf32, #tpu.memory_space<hbm>> -> memref<64x128xf32, #tpu.memory_space<hbm>>
      tpu.wait_dma2 semaphore(%arg15 : memref<!tpu.dma_semaphore, #tpu.memory_space<semaphore_mem>>) src(%dma_wait3A_281 : memref<64x128xf32, #tpu.memory_space<hbm>>) dst(%arg6 : memref<64x128xf32, #tpu.memory_space<vmem>>)
      %shift_right_logical3A_282 = arith.constant 4 : i32
      %shift_right_logical3A_283 = arith.shrui %min3A_275, %shift_right_logical3A_282 : i32
      %shift_left3A_284 = arith.constant 4 : i32
      %shift_left3A_285 = arith.shli %shift_right_logical3A_283, %shift_left3A_284 : i32
      %multiple_of3A_286 = tpu.assume_multiple %shift_left3A_285, 16 : i32
      %get3A_287 = arith.index_cast %multiple_of3A_286 : i32 to index
      %get3A_288 = tpu.vector_load %arg5[%get3A_287] {strides = array<i32>} : memref<512xi32, #tpu.memory_space<vmem>>, vector<16xi32>,
      %iota3A_289 = tpu.iota {dimensions = array<i32: 0>} : vector<16xi32>
      %and3A = arith.constant 15 : i32
      %and3A_290 = arith.andi %min3A_275, %and3A : i32
      %eq3A_291 = vector.broadcast %and3A_290 : i32 to vector<16xi32>
      %eq3A_292 = arith.cmpi eq, %iota3A_289, %eq3A_291 : vector<16xi32>
      %jit3A_293 = arith.constant 0 : i32
      %broadcast_in_dim3A_294 = vector.broadcast %jit3A_293 : i32 to vector<16xi32>
      %select_n3A_295 = arith.select %eq3A_292, %get3A_288, %broadcast_in_dim3A_294 : vector<16xi1>, vector<16xi32>
      %reduce_sum3A_296 = arith.constant true
      %reduce_sum3A_297 = vector.broadcast %reduce_sum3A_296 : i1 to vector<16xi1>
      %reduce_sum3A_298 = tpu.scan <sum>, %select_n3A_295 masked %reduce_sum3A_297 : vector<16xi32>, vector<16xi1> -> vector<16xi32>
      %reduce_sum3A_299 = vector.extract %reduce_sum3A_298[15] : i32 from vector<16xi32>
      %and3A_300 = arith.constant 127 : i32
      %and3A_301 = arith.andi %reduce_sum3A_299, %and3A_300 : i32
      %mul3A_302 = arith.constant 64 : i32
      %mul3A_303 = arith.muli %min3A_275, %mul3A_302 : i32
      %broadcast_in_dim3A_304 = vector.broadcast %and3A_301 : i32 to vector<16xi32>
      %iota3A_305 = tpu.iota {dimensions = array<i32: 0>} : vector<16xi32>
      %add3A_306 = arith.constant 0 : i32
      %add3A_307 = vector.broadcast %add3A_306 : i32 to vector<16xi32>
      %add3A_308 = arith.addi %iota3A_305, %add3A_307 : vector<16xi32>
      %gather3A = tpu.vector_load_idx %arg6[%add3A_308, %broadcast_in_dim3A_304] : memref<64x128xf32, #tpu.memory_space<vmem>>[vector<16xi32>, vector<16xi32>], vector<16xf32>,
      %add3A_309 = arith.constant 0 : i32
      %add3A_310 = arith.addi %mul3A_303, %add3A_309 : i32
      %swap3A = arith.index_cast %add3A_310 : i32 to index
      %swap3A_311 = tpu.vector_load %arg14[%swap3A] {strides = array<i32>} : memref<32768xf32, #tpu.memory_space<vmem>>, vector<16xf32>,
      tpu.vector_store %arg14[%swap3A], %gather3A {strides = array<i32>} : memref<32768xf32, #tpu.memory_space<vmem>>, vector<16xf32>,
      %iota3A_312 = tpu.iota {dimensions = array<i32: 0>} : vector<16xi32>
      %add3A_313 = arith.constant 16 : i32
      %add3A_314 = vector.broadcast %add3A_313 : i32 to vector<16xi32>
      %add3A_315 = arith.addi %iota3A_312, %add3A_314 : vector<16xi32>
      %gather3A_316 = tpu.vector_load_idx %arg6[%add3A_315, %broadcast_in_dim3A_304] : memref<64x128xf32, #tpu.memory_space<vmem>>[vector<16xi32>, vector<16xi32>], vector<16xf32>,
      %add3A_317 = arith.constant 16 : i32
      %add3A_318 = arith.addi %mul3A_303, %add3A_317 : i32
      %swap3A_319 = arith.index_cast %add3A_318 : i32 to index
      %swap3A_320 = tpu.vector_load %arg14[%swap3A_319] {strides = array<i32>} : memref<32768xf32, #tpu.memory_space<vmem>>, vector<16xf32>,
      tpu.vector_store %arg14[%swap3A_319], %gather3A_316 {strides = array<i32>} : memref<32768xf32, #tpu.memory_space<vmem>>, vector<16xf32>,
      %iota3A_321 = tpu.iota {dimensions = array<i32: 0>} : vector<16xi32>
      %add3A_322 = arith.constant 32 : i32
      %add3A_323 = vector.broadcast %add3A_322 : i32 to vector<16xi32>
      %add3A_324 = arith.addi %iota3A_321, %add3A_323 : vector<16xi32>
      %gather3A_325 = tpu.vector_load_idx %arg6[%add3A_324, %broadcast_in_dim3A_304] : memref<64x128xf32, #tpu.memory_space<vmem>>[vector<16xi32>, vector<16xi32>], vector<16xf32>,
      %add3A_326 = arith.constant 32 : i32
      %add3A_327 = arith.addi %mul3A_303, %add3A_326 : i32
      %swap3A_328 = arith.index_cast %add3A_327 : i32 to index
      %swap3A_329 = tpu.vector_load %arg14[%swap3A_328] {strides = array<i32>} : memref<32768xf32, #tpu.memory_space<vmem>>, vector<16xf32>,
      tpu.vector_store %arg14[%swap3A_328], %gather3A_325 {strides = array<i32>} : memref<32768xf32, #tpu.memory_space<vmem>>, vector<16xf32>,
      %iota3A_330 = tpu.iota {dimensions = array<i32: 0>} : vector<16xi32>
      %add3A_331 = arith.constant 48 : i32
      %add3A_332 = vector.broadcast %add3A_331 : i32 to vector<16xi32>
      %add3A_333 = arith.addi %iota3A_330, %add3A_332 : vector<16xi32>
      %gather3A_334 = tpu.vector_load_idx %arg6[%add3A_333, %broadcast_in_dim3A_304] : memref<64x128xf32, #tpu.memory_space<vmem>>[vector<16xi32>, vector<16xi32>], vector<16xf32>,
      %add3A_335 = arith.constant 48 : i32
      %add3A_336 = arith.addi %mul3A_303, %add3A_335 : i32
      %swap3A_337 = arith.index_cast %add3A_336 : i32 to index
      %swap3A_338 = tpu.vector_load %arg14[%swap3A_337] {strides = array<i32>} : memref<32768xf32, #tpu.memory_space<vmem>>, vector<16xf32>,
      tpu.vector_store %arg14[%swap3A_337], %gather3A_334 {strides = array<i32>} : memref<32768xf32, #tpu.memory_space<vmem>>, vector<16xf32>,
      %add3A_339 = arith.constant 8 : i32
      %add3A_340 = arith.addi %min3A_275, %add3A_339 : i32
      %min3A_341 = arith.constant 511 : i32
      %min3A_342 = arith.minsi %add3A_340, %min3A_341 : i32
      %shift_right_logical3A_343 = arith.constant 4 : i32
      %shift_right_logical3A_344 = arith.shrui %min3A_342, %shift_right_logical3A_343 : i32
      %shift_left3A_345 = arith.constant 4 : i32
      %shift_left3A_346 = arith.shli %shift_right_logical3A_344, %shift_left3A_345 : i32
      %multiple_of3A_347 = tpu.assume_multiple %shift_left3A_346, 16 : i32
      %get3A_348 = arith.index_cast %multiple_of3A_347 : i32 to index
      %get3A_349 = tpu.vector_load %arg5[%get3A_348] {strides = array<i32>} : memref<512xi32, #tpu.memory_space<vmem>>, vector<16xi32>,
      %iota3A_350 = tpu.iota {dimensions = array<i32: 0>} : vector<16xi32>
      %and3A_351 = arith.constant 15 : i32
      %and3A_352 = arith.andi %min3A_342, %and3A_351 : i32
      %eq3A_353 = vector.broadcast %and3A_352 : i32 to vector<16xi32>
      %eq3A_354 = arith.cmpi eq, %iota3A_350, %eq3A_353 : vector<16xi32>
      %jit3A_355 = arith.constant 0 : i32
      %broadcast_in_dim3A_356 = vector.broadcast %jit3A_355 : i32 to vector<16xi32>
      %select_n3A_357 = arith.select %eq3A_354, %get3A_349, %broadcast_in_dim3A_356 : vector<16xi1>, vector<16xi32>
      %reduce_sum3A_358 = arith.constant true
      %reduce_sum3A_359 = vector.broadcast %reduce_sum3A_358 : i1 to vector<16xi1>
      %reduce_sum3A_360 = tpu.scan <sum>, %select_n3A_357 masked %reduce_sum3A_359 : vector<16xi32>, vector<16xi1> -> vector<16xi32>
      %reduce_sum3A_361 = vector.extract %reduce_sum3A_360[15] : i32 from vector<16xi32>
      %shift_right_logical3A_362 = arith.constant 7 : i32
      %shift_right_logical3A_363 = arith.shrui %reduce_sum3A_361, %shift_right_logical3A_362 : i32
      %shift_left3A_364 = arith.constant 7 : i32
      %shift_left3A_365 = arith.shli %shift_right_logical3A_363, %shift_left3A_364 : i32
      %multiple_of3A_366 = tpu.assume_multiple %shift_left3A_365, 128 : i32
      %dma_start3A_367 = arith.constant 0 : i32
      %dma_start3A_368 = tpu.memref_slice %arg2[%dma_start3A_367, %multiple_of3A_366] : memref<64x1000000xf32, #tpu.memory_space<hbm>> -> memref<64x128xf32, #tpu.memory_space<hbm>>
      %dma_start3A_369 = arith.constant 0 : i32
      %dma_start3A_370 = tpu.memref_slice %arg2[%dma_start3A_369, %multiple_of3A_366] : memref<64x1000000xf32, #tpu.memory_space<hbm>> -> memref<64x128xf32, #tpu.memory_space<hbm>>
      tpu.enqueue_dma source(%dma_start3A_370 : memref<64x128xf32, #tpu.memory_space<hbm>>) target(%arg6 : memref<64x128xf32, #tpu.memory_space<vmem>>) target_semaphore(%arg15 : memref<!tpu.dma_semaphore, #tpu.memory_space<semaphore_mem>>)
      %mul3A_371 = arith.constant 8 : i32
      %mul3A_372 = arith.muli %mul3A_371, %scan3A_270 : i32
      %add3A_373 = arith.constant 1 : i32
      %add3A_374 = arith.addi %mul3A_372, %add3A_373 : i32
      %min3A_375 = arith.constant 511 : i32
      %min3A_376 = arith.minsi %add3A_374, %min3A_375 : i32
      %dma_wait3A_377 = arith.constant 0 : i32
      %dma_wait3A_378 = arith.constant 0 : i32
      %dma_wait3A_379 = tpu.memref_slice %arg2[%dma_wait3A_377, %dma_wait3A_378] : memref<64x1000000xf32, #tpu.memory_space<hbm>> -> memref<64x128xf32, #tpu.memory_space<hbm>>
      %dma_wait3A_380 = arith.constant 0 : i32
      %dma_wait3A_381 = arith.constant 0 : i32
      %dma_wait3A_382 = tpu.memref_slice %arg2[%dma_wait3A_380, %dma_wait3A_381] : memref<64x1000000xf32, #tpu.memory_space<hbm>> -> memref<64x128xf32, #tpu.memory_space<hbm>>
      tpu.wait_dma2 semaphore(%arg16 : memref<!tpu.dma_semaphore, #tpu.memory_space<semaphore_mem>>) src(%dma_wait3A_382 : memref<64x128xf32, #tpu.memory_space<hbm>>) dst(%arg7 : memref<64x128xf32, #tpu.memory_space<vmem>>)
      %shift_right_logical3A_383 = arith.constant 4 : i32
      %shift_right_logical3A_384 = arith.shrui %min3A_376, %shift_right_logical3A_383 : i32
      %shift_left3A_385 = arith.constant 4 : i32
      %shift_left3A_386 = arith.shli %shift_right_logical3A_384, %shift_left3A_385 : i32
      %multiple_of3A_387 = tpu.assume_multiple %shift_left3A_386, 16 : i32
      %get3A_388 = arith.index_cast %multiple_of3A_387 : i32 to index
      %get3A_389 = tpu.vector_load %arg5[%get3A_388] {strides = array<i32>} : memref<512xi32, #tpu.memory_space<vmem>>, vector<16xi32>,
      %iota3A_390 = tpu.iota {dimensions = array<i32: 0>} : vector<16xi32>
      %and3A_391 = arith.constant 15 : i32
      %and3A_392 = arith.andi %min3A_376, %and3A_391 : i32
      %eq3A_393 = vector.broadcast %and3A_392 : i32 to vector<16xi32>
      %eq3A_394 = arith.cmpi eq, %iota3A_390, %eq3A_393 : vector<16xi32>
      %jit3A_395 = arith.constant 0 : i32
      %broadcast_in_dim3A_396 = vector.broadcast %jit3A_395 : i32 to vector<16xi32>
      %select_n3A_397 = arith.select %eq3A_394, %get3A_389, %broadcast_in_dim3A_396 : vector<16xi1>, vector<16xi32>
      %reduce_sum3A_398 = arith.constant true
      %reduce_sum3A_399 = vector.broadcast %reduce_sum3A_398 : i1 to vector<16xi1>
      %reduce_sum3A_400 = tpu.scan <sum>, %select_n3A_397 masked %reduce_sum3A_399 : vector<16xi32>, vector<16xi1> -> vector<16xi32>
      %reduce_sum3A_401 = vector.extract %reduce_sum3A_400[15] : i32 from vector<16xi32>
      %and3A_402 = arith.constant 127 : i32
      %and3A_403 = arith.andi %reduce_sum3A_401, %and3A_402 : i32
      %mul3A_404 = arith.constant 64 : i32
      %mul3A_405 = arith.muli %min3A_376, %mul3A_404 : i32
      %broadcast_in_dim3A_406 = vector.broadcast %and3A_403 : i32 to vector<16xi32>
      %iota3A_407 = tpu.iota {dimensions = array<i32: 0>} : vector<16xi32>
      %add3A_408 = arith.constant 0 : i32
      %add3A_409 = vector.broadcast %add3A_408 : i32 to vector<16xi32>
      %add3A_410 = arith.addi %iota3A_407, %add3A_409 : vector<16xi32>
      %gather3A_411 = tpu.vector_load_idx %arg7[%add3A_410, %broadcast_in_dim3A_406] : memref<64x128xf32, #tpu.memory_space<vmem>>[vector<16xi32>, vector<16xi32>], vector<16xf32>,
      %add3A_412 = arith.constant 0 : i32
      %add3A_413 = arith.addi %mul3A_405, %add3A_412 : i32
      %swap3A_414 = arith.index_cast %add3A_413 : i32 to index
      %swap3A_415 = tpu.vector_load %arg14[%swap3A_414] {strides = array<i32>} : memref<32768xf32, #tpu.memory_space<vmem>>, vector<16xf32>,
      tpu.vector_store %arg14[%swap3A_414], %gather3A_411 {strides = array<i32>} : memref<32768xf32, #tpu.memory_space<vmem>>, vector<16xf32>,
      %iota3A_416 = tpu.iota {dimensions = array<i32: 0>} : vector<16xi32>
      %add3A_417 = arith.constant 16 : i32
      %add3A_418 = vector.broadcast %add3A_417 : i32 to vector<16xi32>
      %add3A_419 = arith.addi %iota3A_416, %add3A_418 : vector<16xi32>
      %gather3A_420 = tpu.vector_load_idx %arg7[%add3A_419, %broadcast_in_dim3A_406] : memref<64x128xf32, #tpu.memory_space<vmem>>[vector<16xi32>, vector<16xi32>], vector<16xf32>,
      %add3A_421 = arith.constant 16 : i32
      %add3A_422 = arith.addi %mul3A_405, %add3A_421 : i32
      %swap3A_423 = arith.index_cast %add3A_422 : i32 to index
      %swap3A_424 = tpu.vector_load %arg14[%swap3A_423] {strides = array<i32>} : memref<32768xf32, #tpu.memory_space<vmem>>, vector<16xf32>,
      tpu.vector_store %arg14[%swap3A_423], %gather3A_420 {strides = array<i32>} : memref<32768xf32, #tpu.memory_space<vmem>>, vector<16xf32>,
      %iota3A_425 = tpu.iota {dimensions = array<i32: 0>} : vector<16xi32>
      %add3A_426 = arith.constant 32 : i32
      %add3A_427 = vector.broadcast %add3A_426 : i32 to vector<16xi32>
      %add3A_428 = arith.addi %iota3A_425, %add3A_427 : vector<16xi32>
      %gather3A_429 = tpu.vector_load_idx %arg7[%add3A_428, %broadcast_in_dim3A_406] : memref<64x128xf32, #tpu.memory_space<vmem>>[vector<16xi32>, vector<16xi32>], vector<16xf32>,
      %add3A_430 = arith.constant 32 : i32
      %add3A_431 = arith.addi %mul3A_405, %add3A_430 : i32
      %swap3A_432 = arith.index_cast %add3A_431 : i32 to index
      %swap3A_433 = tpu.vector_load %arg14[%swap3A_432] {strides = array<i32>} : memref<32768xf32, #tpu.memory_space<vmem>>, vector<16xf32>,
      tpu.vector_store %arg14[%swap3A_432], %gather3A_429 {strides = array<i32>} : memref<32768xf32, #tpu.memory_space<vmem>>, vector<16xf32>,
      %iota3A_434 = tpu.iota {dimensions = array<i32: 0>} : vector<16xi32>
      %add3A_435 = arith.constant 48 : i32
      %add3A_436 = vector.broadcast %add3A_435 : i32 to vector<16xi32>
      %add3A_437 = arith.addi %iota3A_434, %add3A_436 : vector<16xi32>
      %gather3A_438 = tpu.vector_load_idx %arg7[%add3A_437, %broadcast_in_dim3A_406] : memref<64x128xf32, #tpu.memory_space<vmem>>[vector<16xi32>, vector<16xi32>], vector<16xf32>,
      %add3A_439 = arith.constant 48 : i32
      %add3A_440 = arith.addi %mul3A_405, %add3A_439 : i32
      %swap3A_441 = arith.index_cast %add3A_440 : i32 to index
      %swap3A_442 = tpu.vector_load %arg14[%swap3A_441] {strides = array<i32>} : memref<32768xf32, #tpu.memory_space<vmem>>, vector<16xf32>,
      tpu.vector_store %arg14[%swap3A_441], %gather3A_438 {strides = array<i32>} : memref<32768xf32, #tpu.memory_space<vmem>>, vector<16xf32>,
      %add3A_443 = arith.constant 8 : i32
      %add3A_444 = arith.addi %min3A_376, %add3A_443 : i32
      %min3A_445 = arith.constant 511 : i32
      %min3A_446 = arith.minsi %add3A_444, %min3A_445 : i32
      %shift_right_logical3A_447 = arith.constant 4 : i32
      %shift_right_logical3A_448 = arith.shrui %min3A_446, %shift_right_logical3A_447 : i32
      %shift_left3A_449 = arith.constant 4 : i32
      %shift_left3A_450 = arith.shli %shift_right_logical3A_448, %shift_left3A_449 : i32
      %multiple_of3A_451 = tpu.assume_multiple %shift_left3A_450, 16 : i32
      %get3A_452 = arith.index_cast %multiple_of3A_451 : i32 to index
      %get3A_453 = tpu.vector_load %arg5[%get3A_452] {strides = array<i32>} : memref<512xi32, #tpu.memory_space<vmem>>, vector<16xi32>,
      %iota3A_454 = tpu.iota {dimensions = array<i32: 0>} : vector<16xi32>
      %and3A_455 = arith.constant 15 : i32
      %and3A_456 = arith.andi %min3A_446, %and3A_455 : i32
      %eq3A_457 = vector.broadcast %and3A_456 : i32 to vector<16xi32>
      %eq3A_458 = arith.cmpi eq, %iota3A_454, %eq3A_457 : vector<16xi32>
      %jit3A_459 = arith.constant 0 : i32
      %broadcast_in_dim3A_460 = vector.broadcast %jit3A_459 : i32 to vector<16xi32>
      %select_n3A_461 = arith.select %eq3A_458, %get3A_453, %broadcast_in_dim3A_460 : vector<16xi1>, vector<16xi32>
      %reduce_sum3A_462 = arith.constant true
      %reduce_sum3A_463 = vector.broadcast %reduce_sum3A_462 : i1 to vector<16xi1>
      %reduce_sum3A_464 = tpu.scan <sum>, %select_n3A_461 masked %reduce_sum3A_463 : vector<16xi32>, vector<16xi1> -> vector<16xi32>
      %reduce_sum3A_465 = vector.extract %reduce_sum3A_464[15] : i32 from vector<16xi32>
      %shift_right_logical3A_466 = arith.constant 7 : i32
      %shift_right_logical3A_467 = arith.shrui %reduce_sum3A_465, %shift_right_logical3A_466 : i32
      %shift_left3A_468 = arith.constant 7 : i32
      %shift_left3A_469 = arith.shli %shift_right_logical3A_467, %shift_left3A_468 : i32
      %multiple_of3A_470 = tpu.assume_multiple %shift_left3A_469, 128 : i32
      %dma_start3A_471 = arith.constant 0 : i32
      %dma_start3A_472 = tpu.memref_slice %arg2[%dma_start3A_471, %multiple_of3A_470] : memref<64x1000000xf32, #tpu.memory_space<hbm>> -> memref<64x128xf32, #tpu.memory_space<hbm>>
      %dma_start3A_473 = arith.constant 0 : i32
      %dma_start3A_474 = tpu.memref_slice %arg2[%dma_start3A_473, %multiple_of3A_470] : memref<64x1000000xf32, #tpu.memory_space<hbm>> -> memref<64x128xf32, #tpu.memory_space<hbm>>
      tpu.enqueue_dma source(%dma_start3A_474 : memref<64x128xf32, #tpu.memory_space<hbm>>) target(%arg7 : memref<64x128xf32, #tpu.memory_space<vmem>>) target_semaphore(%arg16 : memref<!tpu.dma_semaphore, #tpu.memory_space<semaphore_mem>>)
      %mul3A_475 = arith.constant 8 : i32
      %mul3A_476 = arith.muli %mul3A_475, %scan3A_270 : i32
      %add3A_477 = arith.constant 2 : i32
      %add3A_478 = arith.addi %mul3A_476, %add3A_477 : i32
      %min3A_479 = arith.constant 511 : i32
      %min3A_480 = arith.minsi %add3A_478, %min3A_479 : i32
      %dma_wait3A_481 = arith.constant 0 : i32
      %dma_wait3A_482 = arith.constant 0 : i32
      %dma_wait3A_483 = tpu.memref_slice %arg2[%dma_wait3A_481, %dma_wait3A_482] : memref<64x1000000xf32, #tpu.memory_space<hbm>> -> memref<64x128xf32, #tpu.memory_space<hbm>>
      %dma_wait3A_484 = arith.constant 0 : i32
      %dma_wait3A_485 = arith.constant 0 : i32
      %dma_wait3A_486 = tpu.memref_slice %arg2[%dma_wait3A_484, %dma_wait3A_485] : memref<64x1000000xf32, #tpu.memory_space<hbm>> -> memref<64x128xf32, #tpu.memory_space<hbm>>
      tpu.wait_dma2 semaphore(%arg17 : memref<!tpu.dma_semaphore, #tpu.memory_space<semaphore_mem>>) src(%dma_wait3A_486 : memref<64x128xf32, #tpu.memory_space<hbm>>) dst(%arg8 : memref<64x128xf32, #tpu.memory_space<vmem>>)
      %shift_right_logical3A_487 = arith.constant 4 : i32
      %shift_right_logical3A_488 = arith.shrui %min3A_480, %shift_right_logical3A_487 : i32
      %shift_left3A_489 = arith.constant 4 : i32
      %shift_left3A_490 = arith.shli %shift_right_logical3A_488, %shift_left3A_489 : i32
      %multiple_of3A_491 = tpu.assume_multiple %shift_left3A_490, 16 : i32
      %get3A_492 = arith.index_cast %multiple_of3A_491 : i32 to index
      %get3A_493 = tpu.vector_load %arg5[%get3A_492] {strides = array<i32>} : memref<512xi32, #tpu.memory_space<vmem>>, vector<16xi32>,
      %iota3A_494 = tpu.iota {dimensions = array<i32: 0>} : vector<16xi32>
      %and3A_495 = arith.constant 15 : i32
      %and3A_496 = arith.andi %min3A_480, %and3A_495 : i32
      %eq3A_497 = vector.broadcast %and3A_496 : i32 to vector<16xi32>
      %eq3A_498 = arith.cmpi eq, %iota3A_494, %eq3A_497 : vector<16xi32>
      %jit3A_499 = arith.constant 0 : i32
      %broadcast_in_dim3A_500 = vector.broadcast %jit3A_499 : i32 to vector<16xi32>
      %select_n3A_501 = arith.select %eq3A_498, %get3A_493, %broadcast_in_dim3A_500 : vector<16xi1>, vector<16xi32>
      %reduce_sum3A_502 = arith.constant true
      %reduce_sum3A_503 = vector.broadcast %reduce_sum3A_502 : i1 to vector<16xi1>
      %reduce_sum3A_504 = tpu.scan <sum>, %select_n3A_501 masked %reduce_sum3A_503 : vector<16xi32>, vector<16xi1> -> vector<16xi32>
      %reduce_sum3A_505 = vector.extract %reduce_sum3A_504[15] : i32 from vector<16xi32>
      %and3A_506 = arith.constant 127 : i32
      %and3A_507 = arith.andi %reduce_sum3A_505, %and3A_506 : i32
      %mul3A_508 = arith.constant 64 : i32
      %mul3A_509 = arith.muli %min3A_480, %mul3A_508 : i32
      %broadcast_in_dim3A_510 = vector.broadcast %and3A_507 : i32 to vector<16xi32>
      %iota3A_511 = tpu.iota {dimensions = array<i32: 0>} : vector<16xi32>
      %add3A_512 = arith.constant 0 : i32
      %add3A_513 = vector.broadcast %add3A_512 : i32 to vector<16xi32>
      %add3A_514 = arith.addi %iota3A_511, %add3A_513 : vector<16xi32>
      %gather3A_515 = tpu.vector_load_idx %arg8[%add3A_514, %broadcast_in_dim3A_510] : memref<64x128xf32, #tpu.memory_space<vmem>>[vector<16xi32>, vector<16xi32>], vector<16xf32>,
      %add3A_516 = arith.constant 0 : i32
      %add3A_517 = arith.addi %mul3A_509, %add3A_516 : i32
      %swap3A_518 = arith.index_cast %add3A_517 : i32 to index
      %swap3A_519 = tpu.vector_load %arg14[%swap3A_518] {strides = array<i32>} : memref<32768xf32, #tpu.memory_space<vmem>>, vector<16xf32>,
      tpu.vector_store %arg14[%swap3A_518], %gather3A_515 {strides = array<i32>} : memref<32768xf32, #tpu.memory_space<vmem>>, vector<16xf32>,
      %iota3A_520 = tpu.iota {dimensions = array<i32: 0>} : vector<16xi32>
      %add3A_521 = arith.constant 16 : i32
      %add3A_522 = vector.broadcast %add3A_521 : i32 to vector<16xi32>
      %add3A_523 = arith.addi %iota3A_520, %add3A_522 : vector<16xi32>
      %gather3A_524 = tpu.vector_load_idx %arg8[%add3A_523, %broadcast_in_dim3A_510] : memref<64x128xf32, #tpu.memory_space<vmem>>[vector<16xi32>, vector<16xi32>], vector<16xf32>,
      %add3A_525 = arith.constant 16 : i32
      %add3A_526 = arith.addi %mul3A_509, %add3A_525 : i32
      %swap3A_527 = arith.index_cast %add3A_526 : i32 to index
      %swap3A_528 = tpu.vector_load %arg14[%swap3A_527] {strides = array<i32>} : memref<32768xf32, #tpu.memory_space<vmem>>, vector<16xf32>,
      tpu.vector_store %arg14[%swap3A_527], %gather3A_524 {strides = array<i32>} : memref<32768xf32, #tpu.memory_space<vmem>>, vector<16xf32>,
      %iota3A_529 = tpu.iota {dimensions = array<i32: 0>} : vector<16xi32>
      %add3A_530 = arith.constant 32 : i32
      %add3A_531 = vector.broadcast %add3A_530 : i32 to vector<16xi32>
      %add3A_532 = arith.addi %iota3A_529, %add3A_531 : vector<16xi32>
      %gather3A_533 = tpu.vector_load_idx %arg8[%add3A_532, %broadcast_in_dim3A_510] : memref<64x128xf32, #tpu.memory_space<vmem>>[vector<16xi32>, vector<16xi32>], vector<16xf32>,
      %add3A_534 = arith.constant 32 : i32
      %add3A_535 = arith.addi %mul3A_509, %add3A_534 : i32
      %swap3A_536 = arith.index_cast %add3A_535 : i32 to index
      %swap3A_537 = tpu.vector_load %arg14[%swap3A_536] {strides = array<i32>} : memref<32768xf32, #tpu.memory_space<vmem>>, vector<16xf32>,
      tpu.vector_store %arg14[%swap3A_536], %gather3A_533 {strides = array<i32>} : memref<32768xf32, #tpu.memory_space<vmem>>, vector<16xf32>,
      %iota3A_538 = tpu.iota {dimensions = array<i32: 0>} : vector<16xi32>
      %add3A_539 = arith.constant 48 : i32
      %add3A_540 = vector.broadcast %add3A_539 : i32 to vector<16xi32>
      %add3A_541 = arith.addi %iota3A_538, %add3A_540 : vector<16xi32>
      %gather3A_542 = tpu.vector_load_idx %arg8[%add3A_541, %broadcast_in_dim3A_510] : memref<64x128xf32, #tpu.memory_space<vmem>>[vector<16xi32>, vector<16xi32>], vector<16xf32>,
      %add3A_543 = arith.constant 48 : i32
      %add3A_544 = arith.addi %mul3A_509, %add3A_543 : i32
      %swap3A_545 = arith.index_cast %add3A_544 : i32 to index
      %swap3A_546 = tpu.vector_load %arg14[%swap3A_545] {strides = array<i32>} : memref<32768xf32, #tpu.memory_space<vmem>>, vector<16xf32>,
      tpu.vector_store %arg14[%swap3A_545], %gather3A_542 {strides = array<i32>} : memref<32768xf32, #tpu.memory_space<vmem>>, vector<16xf32>,
      %add3A_547 = arith.constant 8 : i32
      %add3A_548 = arith.addi %min3A_480, %add3A_547 : i32
      %min3A_549 = arith.constant 511 : i32
      %min3A_550 = arith.minsi %add3A_548, %min3A_549 : i32
      %shift_right_logical3A_551 = arith.constant 4 : i32
      %shift_right_logical3A_552 = arith.shrui %min3A_550, %shift_right_logical3A_551 : i32
      %shift_left3A_553 = arith.constant 4 : i32
      %shift_left3A_554 = arith.shli %shift_right_logical3A_552, %shift_left3A_553 : i32
      %multiple_of3A_555 = tpu.assume_multiple %shift_left3A_554, 16 : i32
      %get3A_556 = arith.index_cast %multiple_of3A_555 : i32 to index
      %get3A_557 = tpu.vector_load %arg5[%get3A_556] {strides = array<i32>} : memref<512xi32, #tpu.memory_space<vmem>>, vector<16xi32>,
      %iota3A_558 = tpu.iota {dimensions = array<i32: 0>} : vector<16xi32>
      %and3A_559 = arith.constant 15 : i32
      %and3A_560 = arith.andi %min3A_550, %and3A_559 : i32
      %eq3A_561 = vector.broadcast %and3A_560 : i32 to vector<16xi32>
      %eq3A_562 = arith.cmpi eq, %iota3A_558, %eq3A_561 : vector<16xi32>
      %jit3A_563 = arith.constant 0 : i32
      %broadcast_in_dim3A_564 = vector.broadcast %jit3A_563 : i32 to vector<16xi32>
      %select_n3A_565 = arith.select %eq3A_562, %get3A_557, %broadcast_in_dim3A_564 : vector<16xi1>, vector<16xi32>
      %reduce_sum3A_566 = arith.constant true
      %reduce_sum3A_567 = vector.broadcast %reduce_sum3A_566 : i1 to vector<16xi1>
      %reduce_sum3A_568 = tpu.scan <sum>, %select_n3A_565 masked %reduce_sum3A_567 : vector<16xi32>, vector<16xi1> -> vector<16xi32>
      %reduce_sum3A_569 = vector.extract %reduce_sum3A_568[15] : i32 from vector<16xi32>
      %shift_right_logical3A_570 = arith.constant 7 : i32
      %shift_right_logical3A_571 = arith.shrui %reduce_sum3A_569, %shift_right_logical3A_570 : i32
      %shift_left3A_572 = arith.constant 7 : i32
      %shift_left3A_573 = arith.shli %shift_right_logical3A_571, %shift_left3A_572 : i32
      %multiple_of3A_574 = tpu.assume_multiple %shift_left3A_573, 128 : i32
      %dma_start3A_575 = arith.constant 0 : i32
      %dma_start3A_576 = tpu.memref_slice %arg2[%dma_start3A_575, %multiple_of3A_574] : memref<64x1000000xf32, #tpu.memory_space<hbm>> -> memref<64x128xf32, #tpu.memory_space<hbm>>
      %dma_start3A_577 = arith.constant 0 : i32
      %dma_start3A_578 = tpu.memref_slice %arg2[%dma_start3A_577, %multiple_of3A_574] : memref<64x1000000xf32, #tpu.memory_space<hbm>> -> memref<64x128xf32, #tpu.memory_space<hbm>>
      tpu.enqueue_dma source(%dma_start3A_578 : memref<64x128xf32, #tpu.memory_space<hbm>>) target(%arg8 : memref<64x128xf32, #tpu.memory_space<vmem>>) target_semaphore(%arg17 : memref<!tpu.dma_semaphore, #tpu.memory_space<semaphore_mem>>)
      %mul3A_579 = arith.constant 8 : i32
      %mul3A_580 = arith.muli %mul3A_579, %scan3A_270 : i32
      %add3A_581 = arith.constant 3 : i32
      %add3A_582 = arith.addi %mul3A_580, %add3A_581 : i32
      %min3A_583 = arith.constant 511 : i32
      %min3A_584 = arith.minsi %add3A_582, %min3A_583 : i32
      %dma_wait3A_585 = arith.constant 0 : i32
      %dma_wait3A_586 = arith.constant 0 : i32
      %dma_wait3A_587 = tpu.memref_slice %arg2[%dma_wait3A_585, %dma_wait3A_586] : memref<64x1000000xf32, #tpu.memory_space<hbm>> -> memref<64x128xf32, #tpu.memory_space<hbm>>
      %dma_wait3A_588 = arith.constant 0 : i32
      %dma_wait3A_589 = arith.constant 0 : i32
      %dma_wait3A_590 = tpu.memref_slice %arg2[%dma_wait3A_588, %dma_wait3A_589] : memref<64x1000000xf32, #tpu.memory_space<hbm>> -> memref<64x128xf32, #tpu.memory_space<hbm>>
      tpu.wait_dma2 semaphore(%arg18 : memref<!tpu.dma_semaphore, #tpu.memory_space<semaphore_mem>>) src(%dma_wait3A_590 : memref<64x128xf32, #tpu.memory_space<hbm>>) dst(%arg9 : memref<64x128xf32, #tpu.memory_space<vmem>>)
      %shift_right_logical3A_591 = arith.constant 4 : i32
      %shift_right_logical3A_592 = arith.shrui %min3A_584, %shift_right_logical3A_591 : i32
      %shift_left3A_593 = arith.constant 4 : i32
      %shift_left3A_594 = arith.shli %shift_right_logical3A_592, %shift_left3A_593 : i32
      %multiple_of3A_595 = tpu.assume_multiple %shift_left3A_594, 16 : i32
      %get3A_596 = arith.index_cast %multiple_of3A_595 : i32 to index
      %get3A_597 = tpu.vector_load %arg5[%get3A_596] {strides = array<i32>} : memref<512xi32, #tpu.memory_space<vmem>>, vector<16xi32>,
      %iota3A_598 = tpu.iota {dimensions = array<i32: 0>} : vector<16xi32>
      %and3A_599 = arith.constant 15 : i32
      %and3A_600 = arith.andi %min3A_584, %and3A_599 : i32
      %eq3A_601 = vector.broadcast %and3A_600 : i32 to vector<16xi32>
      %eq3A_602 = arith.cmpi eq, %iota3A_598, %eq3A_601 : vector<16xi32>
      %jit3A_603 = arith.constant 0 : i32
      %broadcast_in_dim3A_604 = vector.broadcast %jit3A_603 : i32 to vector<16xi32>
      %select_n3A_605 = arith.select %eq3A_602, %get3A_597, %broadcast_in_dim3A_604 : vector<16xi1>, vector<16xi32>
      %reduce_sum3A_606 = arith.constant true
      %reduce_sum3A_607 = vector.broadcast %reduce_sum3A_606 : i1 to vector<16xi1>
      %reduce_sum3A_608 = tpu.scan <sum>, %select_n3A_605 masked %reduce_sum3A_607 : vector<16xi32>, vector<16xi1> -> vector<16xi32>
      %reduce_sum3A_609 = vector.extract %reduce_sum3A_608[15] : i32 from vector<16xi32>
      %and3A_610 = arith.constant 127 : i32
      %and3A_611 = arith.andi %reduce_sum3A_609, %and3A_610 : i32
      %mul3A_612 = arith.constant 64 : i32
      %mul3A_613 = arith.muli %min3A_584, %mul3A_612 : i32
      %broadcast_in_dim3A_614 = vector.broadcast %and3A_611 : i32 to vector<16xi32>
      %iota3A_615 = tpu.iota {dimensions = array<i32: 0>} : vector<16xi32>
      %add3A_616 = arith.constant 0 : i32
      %add3A_617 = vector.broadcast %add3A_616 : i32 to vector<16xi32>
      %add3A_618 = arith.addi %iota3A_615, %add3A_617 : vector<16xi32>
      %gather3A_619 = tpu.vector_load_idx %arg9[%add3A_618, %broadcast_in_dim3A_614] : memref<64x128xf32, #tpu.memory_space<vmem>>[vector<16xi32>, vector<16xi32>], vector<16xf32>,
      %add3A_620 = arith.constant 0 : i32
      %add3A_621 = arith.addi %mul3A_613, %add3A_620 : i32
      %swap3A_622 = arith.index_cast %add3A_621 : i32 to index
      %swap3A_623 = tpu.vector_load %arg14[%swap3A_622] {strides = array<i32>} : memref<32768xf32, #tpu.memory_space<vmem>>, vector<16xf32>,
      tpu.vector_store %arg14[%swap3A_622], %gather3A_619 {strides = array<i32>} : memref<32768xf32, #tpu.memory_space<vmem>>, vector<16xf32>,
      %iota3A_624 = tpu.iota {dimensions = array<i32: 0>} : vector<16xi32>
      %add3A_625 = arith.constant 16 : i32
      %add3A_626 = vector.broadcast %add3A_625 : i32 to vector<16xi32>
      %add3A_627 = arith.addi %iota3A_624, %add3A_626 : vector<16xi32>
      %gather3A_628 = tpu.vector_load_idx %arg9[%add3A_627, %broadcast_in_dim3A_614] : memref<64x128xf32, #tpu.memory_space<vmem>>[vector<16xi32>, vector<16xi32>], vector<16xf32>,
      %add3A_629 = arith.constant 16 : i32
      %add3A_630 = arith.addi %mul3A_613, %add3A_629 : i32
      %swap3A_631 = arith.index_cast %add3A_630 : i32 to index
      %swap3A_632 = tpu.vector_load %arg14[%swap3A_631] {strides = array<i32>} : memref<32768xf32, #tpu.memory_space<vmem>>, vector<16xf32>,
      tpu.vector_store %arg14[%swap3A_631], %gather3A_628 {strides = array<i32>} : memref<32768xf32, #tpu.memory_space<vmem>>, vector<16xf32>,
      %iota3A_633 = tpu.iota {dimensions = array<i32: 0>} : vector<16xi32>
      %add3A_634 = arith.constant 32 : i32
      %add3A_635 = vector.broadcast %add3A_634 : i32 to vector<16xi32>
      %add3A_636 = arith.addi %iota3A_633, %add3A_635 : vector<16xi32>
      %gather3A_637 = tpu.vector_load_idx %arg9[%add3A_636, %broadcast_in_dim3A_614] : memref<64x128xf32, #tpu.memory_space<vmem>>[vector<16xi32>, vector<16xi32>], vector<16xf32>,
      %add3A_638 = arith.constant 32 : i32
      %add3A_639 = arith.addi %mul3A_613, %add3A_638 : i32
      %swap3A_640 = arith.index_cast %add3A_639 : i32 to index
      %swap3A_641 = tpu.vector_load %arg14[%swap3A_640] {strides = array<i32>} : memref<32768xf32, #tpu.memory_space<vmem>>, vector<16xf32>,
      tpu.vector_store %arg14[%swap3A_640], %gather3A_637 {strides = array<i32>} : memref<32768xf32, #tpu.memory_space<vmem>>, vector<16xf32>,
      %iota3A_642 = tpu.iota {dimensions = array<i32: 0>} : vector<16xi32>
      %add3A_643 = arith.constant 48 : i32
      %add3A_644 = vector.broadcast %add3A_643 : i32 to vector<16xi32>
      %add3A_645 = arith.addi %iota3A_642, %add3A_644 : vector<16xi32>
      %gather3A_646 = tpu.vector_load_idx %arg9[%add3A_645, %broadcast_in_dim3A_614] : memref<64x128xf32, #tpu.memory_space<vmem>>[vector<16xi32>, vector<16xi32>], vector<16xf32>,
      %add3A_647 = arith.constant 48 : i32
      %add3A_648 = arith.addi %mul3A_613, %add3A_647 : i32
      %swap3A_649 = arith.index_cast %add3A_648 : i32 to index
      %swap3A_650 = tpu.vector_load %arg14[%swap3A_649] {strides = array<i32>} : memref<32768xf32, #tpu.memory_space<vmem>>, vector<16xf32>,
      tpu.vector_store %arg14[%swap3A_649], %gather3A_646 {strides = array<i32>} : memref<32768xf32, #tpu.memory_space<vmem>>, vector<16xf32>,
      %add3A_651 = arith.constant 8 : i32
      %add3A_652 = arith.addi %min3A_584, %add3A_651 : i32
      %min3A_653 = arith.constant 511 : i32
      %min3A_654 = arith.minsi %add3A_652, %min3A_653 : i32
      %shift_right_logical3A_655 = arith.constant 4 : i32
      %shift_right_logical3A_656 = arith.shrui %min3A_654, %shift_right_logical3A_655 : i32
      %shift_left3A_657 = arith.constant 4 : i32
      %shift_left3A_658 = arith.shli %shift_right_logical3A_656, %shift_left3A_657 : i32
      %multiple_of3A_659 = tpu.assume_multiple %shift_left3A_658, 16 : i32
      %get3A_660 = arith.index_cast %multiple_of3A_659 : i32 to index
      %get3A_661 = tpu.vector_load %arg5[%get3A_660] {strides = array<i32>} : memref<512xi32, #tpu.memory_space<vmem>>, vector<16xi32>,
      %iota3A_662 = tpu.iota {dimensions = array<i32: 0>} : vector<16xi32>
      %and3A_663 = arith.constant 15 : i32
      %and3A_664 = arith.andi %min3A_654, %and3A_663 : i32
      %eq3A_665 = vector.broadcast %and3A_664 : i32 to vector<16xi32>
      %eq3A_666 = arith.cmpi eq, %iota3A_662, %eq3A_665 : vector<16xi32>
      %jit3A_667 = arith.constant 0 : i32
      %broadcast_in_dim3A_668 = vector.broadcast %jit3A_667 : i32 to vector<16xi32>
      %select_n3A_669 = arith.select %eq3A_666, %get3A_661, %broadcast_in_dim3A_668 : vector<16xi1>, vector<16xi32>
      %reduce_sum3A_670 = arith.constant true
      %reduce_sum3A_671 = vector.broadcast %reduce_sum3A_670 : i1 to vector<16xi1>
      %reduce_sum3A_672 = tpu.scan <sum>, %select_n3A_669 masked %reduce_sum3A_671 : vector<16xi32>, vector<16xi1> -> vector<16xi32>
      %reduce_sum3A_673 = vector.extract %reduce_sum3A_672[15] : i32 from vector<16xi32>
      %shift_right_logical3A_674 = arith.constant 7 : i32
      %shift_right_logical3A_675 = arith.shrui %reduce_sum3A_673, %shift_right_logical3A_674 : i32
      %shift_left3A_676 = arith.constant 7 : i32
      %shift_left3A_677 = arith.shli %shift_right_logical3A_675, %shift_left3A_676 : i32
      %multiple_of3A_678 = tpu.assume_multiple %shift_left3A_677, 128 : i32
      %dma_start3A_679 = arith.constant 0 : i32
      %dma_start3A_680 = tpu.memref_slice %arg2[%dma_start3A_679, %multiple_of3A_678] : memref<64x1000000xf32, #tpu.memory_space<hbm>> -> memref<64x128xf32, #tpu.memory_space<hbm>>
      %dma_start3A_681 = arith.constant 0 : i32
      %dma_start3A_682 = tpu.memref_slice %arg2[%dma_start3A_681, %multiple_of3A_678] : memref<64x1000000xf32, #tpu.memory_space<hbm>> -> memref<64x128xf32, #tpu.memory_space<hbm>>
      tpu.enqueue_dma source(%dma_start3A_682 : memref<64x128xf32, #tpu.memory_space<hbm>>) target(%arg9 : memref<64x128xf32, #tpu.memory_space<vmem>>) target_semaphore(%arg18 : memref<!tpu.dma_semaphore, #tpu.memory_space<semaphore_mem>>)
      %mul3A_683 = arith.constant 8 : i32
      %mul3A_684 = arith.muli %mul3A_683, %scan3A_270 : i32
      %add3A_685 = arith.constant 4 : i32
      %add3A_686 = arith.addi %mul3A_684, %add3A_685 : i32
      %min3A_687 = arith.constant 511 : i32
      %min3A_688 = arith.minsi %add3A_686, %min3A_687 : i32
      %dma_wait3A_689 = arith.constant 0 : i32
      %dma_wait3A_690 = arith.constant 0 : i32
      %dma_wait3A_691 = tpu.memref_slice %arg2[%dma_wait3A_689, %dma_wait3A_690] : memref<64x1000000xf32, #tpu.memory_space<hbm>> -> memref<64x128xf32, #tpu.memory_space<hbm>>
      %dma_wait3A_692 = arith.constant 0 : i32
      %dma_wait3A_693 = arith.constant 0 : i32
      %dma_wait3A_694 = tpu.memref_slice %arg2[%dma_wait3A_692, %dma_wait3A_693] : memref<64x1000000xf32, #tpu.memory_space<hbm>> -> memref<64x128xf32, #tpu.memory_space<hbm>>
      tpu.wait_dma2 semaphore(%arg19 : memref<!tpu.dma_semaphore, #tpu.memory_space<semaphore_mem>>) src(%dma_wait3A_694 : memref<64x128xf32, #tpu.memory_space<hbm>>) dst(%arg10 : memref<64x128xf32, #tpu.memory_space<vmem>>)
      %shift_right_logical3A_695 = arith.constant 4 : i32
      %shift_right_logical3A_696 = arith.shrui %min3A_688, %shift_right_logical3A_695 : i32
      %shift_left3A_697 = arith.constant 4 : i32
      %shift_left3A_698 = arith.shli %shift_right_logical3A_696, %shift_left3A_697 : i32
      %multiple_of3A_699 = tpu.assume_multiple %shift_left3A_698, 16 : i32
      %get3A_700 = arith.index_cast %multiple_of3A_699 : i32 to index
      %get3A_701 = tpu.vector_load %arg5[%get3A_700] {strides = array<i32>} : memref<512xi32, #tpu.memory_space<vmem>>, vector<16xi32>,
      %iota3A_702 = tpu.iota {dimensions = array<i32: 0>} : vector<16xi32>
      %and3A_703 = arith.constant 15 : i32
      %and3A_704 = arith.andi %min3A_688, %and3A_703 : i32
      %eq3A_705 = vector.broadcast %and3A_704 : i32 to vector<16xi32>
      %eq3A_706 = arith.cmpi eq, %iota3A_702, %eq3A_705 : vector<16xi32>
      %jit3A_707 = arith.constant 0 : i32
      %broadcast_in_dim3A_708 = vector.broadcast %jit3A_707 : i32 to vector<16xi32>
      %select_n3A_709 = arith.select %eq3A_706, %get3A_701, %broadcast_in_dim3A_708 : vector<16xi1>, vector<16xi32>
      %reduce_sum3A_710 = arith.constant true
      %reduce_sum3A_711 = vector.broadcast %reduce_sum3A_710 : i1 to vector<16xi1>
      %reduce_sum3A_712 = tpu.scan <sum>, %select_n3A_709 masked %reduce_sum3A_711 : vector<16xi32>, vector<16xi1> -> vector<16xi32>
      %reduce_sum3A_713 = vector.extract %reduce_sum3A_712[15] : i32 from vector<16xi32>
      %and3A_714 = arith.constant 127 : i32
      %and3A_715 = arith.andi %reduce_sum3A_713, %and3A_714 : i32
      %mul3A_716 = arith.constant 64 : i32
      %mul3A_717 = arith.muli %min3A_688, %mul3A_716 : i32
      %broadcast_in_dim3A_718 = vector.broadcast %and3A_715 : i32 to vector<16xi32>
      %iota3A_719 = tpu.iota {dimensions = array<i32: 0>} : vector<16xi32>
      %add3A_720 = arith.constant 0 : i32
      %add3A_721 = vector.broadcast %add3A_720 : i32 to vector<16xi32>
      %add3A_722 = arith.addi %iota3A_719, %add3A_721 : vector<16xi32>
      %gather3A_723 = tpu.vector_load_idx %arg10[%add3A_722, %broadcast_in_dim3A_718] : memref<64x128xf32, #tpu.memory_space<vmem>>[vector<16xi32>, vector<16xi32>], vector<16xf32>,
      %add3A_724 = arith.constant 0 : i32
      %add3A_725 = arith.addi %mul3A_717, %add3A_724 : i32
      %swap3A_726 = arith.index_cast %add3A_725 : i32 to index
      %swap3A_727 = tpu.vector_load %arg14[%swap3A_726] {strides = array<i32>} : memref<32768xf32, #tpu.memory_space<vmem>>, vector<16xf32>,
      tpu.vector_store %arg14[%swap3A_726], %gather3A_723 {strides = array<i32>} : memref<32768xf32, #tpu.memory_space<vmem>>, vector<16xf32>,
      %iota3A_728 = tpu.iota {dimensions = array<i32: 0>} : vector<16xi32>
      %add3A_729 = arith.constant 16 : i32
      %add3A_730 = vector.broadcast %add3A_729 : i32 to vector<16xi32>
      %add3A_731 = arith.addi %iota3A_728, %add3A_730 : vector<16xi32>
      %gather3A_732 = tpu.vector_load_idx %arg10[%add3A_731, %broadcast_in_dim3A_718] : memref<64x128xf32, #tpu.memory_space<vmem>>[vector<16xi32>, vector<16xi32>], vector<16xf32>,
      %add3A_733 = arith.constant 16 : i32
      %add3A_734 = arith.addi %mul3A_717, %add3A_733 : i32
      %swap3A_735 = arith.index_cast %add3A_734 : i32 to index
      %swap3A_736 = tpu.vector_load %arg14[%swap3A_735] {strides = array<i32>} : memref<32768xf32, #tpu.memory_space<vmem>>, vector<16xf32>,
      tpu.vector_store %arg14[%swap3A_735], %gather3A_732 {strides = array<i32>} : memref<32768xf32, #tpu.memory_space<vmem>>, vector<16xf32>,
      %iota3A_737 = tpu.iota {dimensions = array<i32: 0>} : vector<16xi32>
      %add3A_738 = arith.constant 32 : i32
      %add3A_739 = vector.broadcast %add3A_738 : i32 to vector<16xi32>
      %add3A_740 = arith.addi %iota3A_737, %add3A_739 : vector<16xi32>
      %gather3A_741 = tpu.vector_load_idx %arg10[%add3A_740, %broadcast_in_dim3A_718] : memref<64x128xf32, #tpu.memory_space<vmem>>[vector<16xi32>, vector<16xi32>], vector<16xf32>,
      %add3A_742 = arith.constant 32 : i32
      %add3A_743 = arith.addi %mul3A_717, %add3A_742 : i32
      %swap3A_744 = arith.index_cast %add3A_743 : i32 to index
      %swap3A_745 = tpu.vector_load %arg14[%swap3A_744] {strides = array<i32>} : memref<32768xf32, #tpu.memory_space<vmem>>, vector<16xf32>,
      tpu.vector_store %arg14[%swap3A_744], %gather3A_741 {strides = array<i32>} : memref<32768xf32, #tpu.memory_space<vmem>>, vector<16xf32>,
      %iota3A_746 = tpu.iota {dimensions = array<i32: 0>} : vector<16xi32>
      %add3A_747 = arith.constant 48 : i32
      %add3A_748 = vector.broadcast %add3A_747 : i32 to vector<16xi32>
      %add3A_749 = arith.addi %iota3A_746, %add3A_748 : vector<16xi32>
      %gather3A_750 = tpu.vector_load_idx %arg10[%add3A_749, %broadcast_in_dim3A_718] : memref<64x128xf32, #tpu.memory_space<vmem>>[vector<16xi32>, vector<16xi32>], vector<16xf32>,
      %add3A_751 = arith.constant 48 : i32
      %add3A_752 = arith.addi %mul3A_717, %add3A_751 : i32
      %swap3A_753 = arith.index_cast %add3A_752 : i32 to index
      %swap3A_754 = tpu.vector_load %arg14[%swap3A_753] {strides = array<i32>} : memref<32768xf32, #tpu.memory_space<vmem>>, vector<16xf32>,
      tpu.vector_store %arg14[%swap3A_753], %gather3A_750 {strides = array<i32>} : memref<32768xf32, #tpu.memory_space<vmem>>, vector<16xf32>,
      %add3A_755 = arith.constant 8 : i32
      %add3A_756 = arith.addi %min3A_688, %add3A_755 : i32
      %min3A_757 = arith.constant 511 : i32
      %min3A_758 = arith.minsi %add3A_756, %min3A_757 : i32
      %shift_right_logical3A_759 = arith.constant 4 : i32
      %shift_right_logical3A_760 = arith.shrui %min3A_758, %shift_right_logical3A_759 : i32
      %shift_left3A_761 = arith.constant 4 : i32
      %shift_left3A_762 = arith.shli %shift_right_logical3A_760, %shift_left3A_761 : i32
      %multiple_of3A_763 = tpu.assume_multiple %shift_left3A_762, 16 : i32
      %get3A_764 = arith.index_cast %multiple_of3A_763 : i32 to index
      %get3A_765 = tpu.vector_load %arg5[%get3A_764] {strides = array<i32>} : memref<512xi32, #tpu.memory_space<vmem>>, vector<16xi32>,
      %iota3A_766 = tpu.iota {dimensions = array<i32: 0>} : vector<16xi32>
      %and3A_767 = arith.constant 15 : i32
      %and3A_768 = arith.andi %min3A_758, %and3A_767 : i32
      %eq3A_769 = vector.broadcast %and3A_768 : i32 to vector<16xi32>
      %eq3A_770 = arith.cmpi eq, %iota3A_766, %eq3A_769 : vector<16xi32>
      %jit3A_771 = arith.constant 0 : i32
      %broadcast_in_dim3A_772 = vector.broadcast %jit3A_771 : i32 to vector<16xi32>
      %select_n3A_773 = arith.select %eq3A_770, %get3A_765, %broadcast_in_dim3A_772 : vector<16xi1>, vector<16xi32>
      %reduce_sum3A_774 = arith.constant true
      %reduce_sum3A_775 = vector.broadcast %reduce_sum3A_774 : i1 to vector<16xi1>
      %reduce_sum3A_776 = tpu.scan <sum>, %select_n3A_773 masked %reduce_sum3A_775 : vector<16xi32>, vector<16xi1> -> vector<16xi32>
      %reduce_sum3A_777 = vector.extract %reduce_sum3A_776[15] : i32 from vector<16xi32>
      %shift_right_logical3A_778 = arith.constant 7 : i32
      %shift_right_logical3A_779 = arith.shrui %reduce_sum3A_777, %shift_right_logical3A_778 : i32
      %shift_left3A_780 = arith.constant 7 : i32
      %shift_left3A_781 = arith.shli %shift_right_logical3A_779, %shift_left3A_780 : i32
      %multiple_of3A_782 = tpu.assume_multiple %shift_left3A_781, 128 : i32
      %dma_start3A_783 = arith.constant 0 : i32
      %dma_start3A_784 = tpu.memref_slice %arg2[%dma_start3A_783, %multiple_of3A_782] : memref<64x1000000xf32, #tpu.memory_space<hbm>> -> memref<64x128xf32, #tpu.memory_space<hbm>>
      %dma_start3A_785 = arith.constant 0 : i32
      %dma_start3A_786 = tpu.memref_slice %arg2[%dma_start3A_785, %multiple_of3A_782] : memref<64x1000000xf32, #tpu.memory_space<hbm>> -> memref<64x128xf32, #tpu.memory_space<hbm>>
      tpu.enqueue_dma source(%dma_start3A_786 : memref<64x128xf32, #tpu.memory_space<hbm>>) target(%arg10 : memref<64x128xf32, #tpu.memory_space<vmem>>) target_semaphore(%arg19 : memref<!tpu.dma_semaphore, #tpu.memory_space<semaphore_mem>>)
      %mul3A_787 = arith.constant 8 : i32
      %mul3A_788 = arith.muli %mul3A_787, %scan3A_270 : i32
      %add3A_789 = arith.constant 5 : i32
      %add3A_790 = arith.addi %mul3A_788, %add3A_789 : i32
      %min3A_791 = arith.constant 511 : i32
      %min3A_792 = arith.minsi %add3A_790, %min3A_791 : i32
      %dma_wait3A_793 = arith.constant 0 : i32
      %dma_wait3A_794 = arith.constant 0 : i32
      %dma_wait3A_795 = tpu.memref_slice %arg2[%dma_wait3A_793, %dma_wait3A_794] : memref<64x1000000xf32, #tpu.memory_space<hbm>> -> memref<64x128xf32, #tpu.memory_space<hbm>>
      %dma_wait3A_796 = arith.constant 0 : i32
      %dma_wait3A_797 = arith.constant 0 : i32
      %dma_wait3A_798 = tpu.memref_slice %arg2[%dma_wait3A_796, %dma_wait3A_797] : memref<64x1000000xf32, #tpu.memory_space<hbm>> -> memref<64x128xf32, #tpu.memory_space<hbm>>
      tpu.wait_dma2 semaphore(%arg20 : memref<!tpu.dma_semaphore, #tpu.memory_space<semaphore_mem>>) src(%dma_wait3A_798 : memref<64x128xf32, #tpu.memory_space<hbm>>) dst(%arg11 : memref<64x128xf32, #tpu.memory_space<vmem>>)
      %shift_right_logical3A_799 = arith.constant 4 : i32
      %shift_right_logical3A_800 = arith.shrui %min3A_792, %shift_right_logical3A_799 : i32
      %shift_left3A_801 = arith.constant 4 : i32
      %shift_left3A_802 = arith.shli %shift_right_logical3A_800, %shift_left3A_801 : i32
      %multiple_of3A_803 = tpu.assume_multiple %shift_left3A_802, 16 : i32
      %get3A_804 = arith.index_cast %multiple_of3A_803 : i32 to index
      %get3A_805 = tpu.vector_load %arg5[%get3A_804] {strides = array<i32>} : memref<512xi32, #tpu.memory_space<vmem>>, vector<16xi32>,
      %iota3A_806 = tpu.iota {dimensions = array<i32: 0>} : vector<16xi32>
      %and3A_807 = arith.constant 15 : i32
      %and3A_808 = arith.andi %min3A_792, %and3A_807 : i32
      %eq3A_809 = vector.broadcast %and3A_808 : i32 to vector<16xi32>
      %eq3A_810 = arith.cmpi eq, %iota3A_806, %eq3A_809 : vector<16xi32>
      %jit3A_811 = arith.constant 0 : i32
      %broadcast_in_dim3A_812 = vector.broadcast %jit3A_811 : i32 to vector<16xi32>
      %select_n3A_813 = arith.select %eq3A_810, %get3A_805, %broadcast_in_dim3A_812 : vector<16xi1>, vector<16xi32>
      %reduce_sum3A_814 = arith.constant true
      %reduce_sum3A_815 = vector.broadcast %reduce_sum3A_814 : i1 to vector<16xi1>
      %reduce_sum3A_816 = tpu.scan <sum>, %select_n3A_813 masked %reduce_sum3A_815 : vector<16xi32>, vector<16xi1> -> vector<16xi32>
      %reduce_sum3A_817 = vector.extract %reduce_sum3A_816[15] : i32 from vector<16xi32>
      %and3A_818 = arith.constant 127 : i32
      %and3A_819 = arith.andi %reduce_sum3A_817, %and3A_818 : i32
      %mul3A_820 = arith.constant 64 : i32
      %mul3A_821 = arith.muli %min3A_792, %mul3A_820 : i32
      %broadcast_in_dim3A_822 = vector.broadcast %and3A_819 : i32 to vector<16xi32>
      %iota3A_823 = tpu.iota {dimensions = array<i32: 0>} : vector<16xi32>
      %add3A_824 = arith.constant 0 : i32
      %add3A_825 = vector.broadcast %add3A_824 : i32 to vector<16xi32>
      %add3A_826 = arith.addi %iota3A_823, %add3A_825 : vector<16xi32>
      %gather3A_827 = tpu.vector_load_idx %arg11[%add3A_826, %broadcast_in_dim3A_822] : memref<64x128xf32, #tpu.memory_space<vmem>>[vector<16xi32>, vector<16xi32>], vector<16xf32>,
      %add3A_828 = arith.constant 0 : i32
      %add3A_829 = arith.addi %mul3A_821, %add3A_828 : i32
      %swap3A_830 = arith.index_cast %add3A_829 : i32 to index
      %swap3A_831 = tpu.vector_load %arg14[%swap3A_830] {strides = array<i32>} : memref<32768xf32, #tpu.memory_space<vmem>>, vector<16xf32>,
      tpu.vector_store %arg14[%swap3A_830], %gather3A_827 {strides = array<i32>} : memref<32768xf32, #tpu.memory_space<vmem>>, vector<16xf32>,
      %iota3A_832 = tpu.iota {dimensions = array<i32: 0>} : vector<16xi32>
      %add3A_833 = arith.constant 16 : i32
      %add3A_834 = vector.broadcast %add3A_833 : i32 to vector<16xi32>
      %add3A_835 = arith.addi %iota3A_832, %add3A_834 : vector<16xi32>
      %gather3A_836 = tpu.vector_load_idx %arg11[%add3A_835, %broadcast_in_dim3A_822] : memref<64x128xf32, #tpu.memory_space<vmem>>[vector<16xi32>, vector<16xi32>], vector<16xf32>,
      %add3A_837 = arith.constant 16 : i32
      %add3A_838 = arith.addi %mul3A_821, %add3A_837 : i32
      %swap3A_839 = arith.index_cast %add3A_838 : i32 to index
      %swap3A_840 = tpu.vector_load %arg14[%swap3A_839] {strides = array<i32>} : memref<32768xf32, #tpu.memory_space<vmem>>, vector<16xf32>,
      tpu.vector_store %arg14[%swap3A_839], %gather3A_836 {strides = array<i32>} : memref<32768xf32, #tpu.memory_space<vmem>>, vector<16xf32>,
      %iota3A_841 = tpu.iota {dimensions = array<i32: 0>} : vector<16xi32>
      %add3A_842 = arith.constant 32 : i32
      %add3A_843 = vector.broadcast %add3A_842 : i32 to vector<16xi32>
      %add3A_844 = arith.addi %iota3A_841, %add3A_843 : vector<16xi32>
      %gather3A_845 = tpu.vector_load_idx %arg11[%add3A_844, %broadcast_in_dim3A_822] : memref<64x128xf32, #tpu.memory_space<vmem>>[vector<16xi32>, vector<16xi32>], vector<16xf32>,
      %add3A_846 = arith.constant 32 : i32
      %add3A_847 = arith.addi %mul3A_821, %add3A_846 : i32
      %swap3A_848 = arith.index_cast %add3A_847 : i32 to index
      %swap3A_849 = tpu.vector_load %arg14[%swap3A_848] {strides = array<i32>} : memref<32768xf32, #tpu.memory_space<vmem>>, vector<16xf32>,
      tpu.vector_store %arg14[%swap3A_848], %gather3A_845 {strides = array<i32>} : memref<32768xf32, #tpu.memory_space<vmem>>, vector<16xf32>,
      %iota3A_850 = tpu.iota {dimensions = array<i32: 0>} : vector<16xi32>
      %add3A_851 = arith.constant 48 : i32
      %add3A_852 = vector.broadcast %add3A_851 : i32 to vector<16xi32>
      %add3A_853 = arith.addi %iota3A_850, %add3A_852 : vector<16xi32>
      %gather3A_854 = tpu.vector_load_idx %arg11[%add3A_853, %broadcast_in_dim3A_822] : memref<64x128xf32, #tpu.memory_space<vmem>>[vector<16xi32>, vector<16xi32>], vector<16xf32>,
      %add3A_855 = arith.constant 48 : i32
      %add3A_856 = arith.addi %mul3A_821, %add3A_855 : i32
      %swap3A_857 = arith.index_cast %add3A_856 : i32 to index
      %swap3A_858 = tpu.vector_load %arg14[%swap3A_857] {strides = array<i32>} : memref<32768xf32, #tpu.memory_space<vmem>>, vector<16xf32>,
      tpu.vector_store %arg14[%swap3A_857], %gather3A_854 {strides = array<i32>} : memref<32768xf32, #tpu.memory_space<vmem>>, vector<16xf32>,
      %add3A_859 = arith.constant 8 : i32
      %add3A_860 = arith.addi %min3A_792, %add3A_859 : i32
      %min3A_861 = arith.constant 511 : i32
      %min3A_862 = arith.minsi %add3A_860, %min3A_861 : i32
      %shift_right_logical3A_863 = arith.constant 4 : i32
      %shift_right_logical3A_864 = arith.shrui %min3A_862, %shift_right_logical3A_863 : i32
      %shift_left3A_865 = arith.constant 4 : i32
      %shift_left3A_866 = arith.shli %shift_right_logical3A_864, %shift_left3A_865 : i32
      %multiple_of3A_867 = tpu.assume_multiple %shift_left3A_866, 16 : i32
      %get3A_868 = arith.index_cast %multiple_of3A_867 : i32 to index
      %get3A_869 = tpu.vector_load %arg5[%get3A_868] {strides = array<i32>} : memref<512xi32, #tpu.memory_space<vmem>>, vector<16xi32>,
      %iota3A_870 = tpu.iota {dimensions = array<i32: 0>} : vector<16xi32>
      %and3A_871 = arith.constant 15 : i32
      %and3A_872 = arith.andi %min3A_862, %and3A_871 : i32
      %eq3A_873 = vector.broadcast %and3A_872 : i32 to vector<16xi32>
      %eq3A_874 = arith.cmpi eq, %iota3A_870, %eq3A_873 : vector<16xi32>
      %jit3A_875 = arith.constant 0 : i32
      %broadcast_in_dim3A_876 = vector.broadcast %jit3A_875 : i32 to vector<16xi32>
      %select_n3A_877 = arith.select %eq3A_874, %get3A_869, %broadcast_in_dim3A_876 : vector<16xi1>, vector<16xi32>
      %reduce_sum3A_878 = arith.constant true
      %reduce_sum3A_879 = vector.broadcast %reduce_sum3A_878 : i1 to vector<16xi1>
      %reduce_sum3A_880 = tpu.scan <sum>, %select_n3A_877 masked %reduce_sum3A_879 : vector<16xi32>, vector<16xi1> -> vector<16xi32>
      %reduce_sum3A_881 = vector.extract %reduce_sum3A_880[15] : i32 from vector<16xi32>
      %shift_right_logical3A_882 = arith.constant 7 : i32
      %shift_right_logical3A_883 = arith.shrui %reduce_sum3A_881, %shift_right_logical3A_882 : i32
      %shift_left3A_884 = arith.constant 7 : i32
      %shift_left3A_885 = arith.shli %shift_right_logical3A_883, %shift_left3A_884 : i32
      %multiple_of3A_886 = tpu.assume_multiple %shift_left3A_885, 128 : i32
      %dma_start3A_887 = arith.constant 0 : i32
      %dma_start3A_888 = tpu.memref_slice %arg2[%dma_start3A_887, %multiple_of3A_886] : memref<64x1000000xf32, #tpu.memory_space<hbm>> -> memref<64x128xf32, #tpu.memory_space<hbm>>
      %dma_start3A_889 = arith.constant 0 : i32
      %dma_start3A_890 = tpu.memref_slice %arg2[%dma_start3A_889, %multiple_of3A_886] : memref<64x1000000xf32, #tpu.memory_space<hbm>> -> memref<64x128xf32, #tpu.memory_space<hbm>>
      tpu.enqueue_dma source(%dma_start3A_890 : memref<64x128xf32, #tpu.memory_space<hbm>>) target(%arg11 : memref<64x128xf32, #tpu.memory_space<vmem>>) target_semaphore(%arg20 : memref<!tpu.dma_semaphore, #tpu.memory_space<semaphore_mem>>)
      %mul3A_891 = arith.constant 8 : i32
      %mul3A_892 = arith.muli %mul3A_891, %scan3A_270 : i32
      %add3A_893 = arith.constant 6 : i32
      %add3A_894 = arith.addi %mul3A_892, %add3A_893 : i32
      %min3A_895 = arith.constant 511 : i32
      %min3A_896 = arith.minsi %add3A_894, %min3A_895 : i32
      %dma_wait3A_897 = arith.constant 0 : i32
      %dma_wait3A_898 = arith.constant 0 : i32
      %dma_wait3A_899 = tpu.memref_slice %arg2[%dma_wait3A_897, %dma_wait3A_898] : memref<64x1000000xf32, #tpu.memory_space<hbm>> -> memref<64x128xf32, #tpu.memory_space<hbm>>
      %dma_wait3A_900 = arith.constant 0 : i32
      %dma_wait3A_901 = arith.constant 0 : i32
      %dma_wait3A_902 = tpu.memref_slice %arg2[%dma_wait3A_900, %dma_wait3A_901] : memref<64x1000000xf32, #tpu.memory_space<hbm>> -> memref<64x128xf32, #tpu.memory_space<hbm>>
      tpu.wait_dma2 semaphore(%arg21 : memref<!tpu.dma_semaphore, #tpu.memory_space<semaphore_mem>>) src(%dma_wait3A_902 : memref<64x128xf32, #tpu.memory_space<hbm>>) dst(%arg12 : memref<64x128xf32, #tpu.memory_space<vmem>>)
      %shift_right_logical3A_903 = arith.constant 4 : i32
      %shift_right_logical3A_904 = arith.shrui %min3A_896, %shift_right_logical3A_903 : i32
      %shift_left3A_905 = arith.constant 4 : i32
      %shift_left3A_906 = arith.shli %shift_right_logical3A_904, %shift_left3A_905 : i32
      %multiple_of3A_907 = tpu.assume_multiple %shift_left3A_906, 16 : i32
      %get3A_908 = arith.index_cast %multiple_of3A_907 : i32 to index
      %get3A_909 = tpu.vector_load %arg5[%get3A_908] {strides = array<i32>} : memref<512xi32, #tpu.memory_space<vmem>>, vector<16xi32>,
      %iota3A_910 = tpu.iota {dimensions = array<i32: 0>} : vector<16xi32>
      %and3A_911 = arith.constant 15 : i32
      %and3A_912 = arith.andi %min3A_896, %and3A_911 : i32
      %eq3A_913 = vector.broadcast %and3A_912 : i32 to vector<16xi32>
      %eq3A_914 = arith.cmpi eq, %iota3A_910, %eq3A_913 : vector<16xi32>
      %jit3A_915 = arith.constant 0 : i32
      %broadcast_in_dim3A_916 = vector.broadcast %jit3A_915 : i32 to vector<16xi32>
      %select_n3A_917 = arith.select %eq3A_914, %get3A_909, %broadcast_in_dim3A_916 : vector<16xi1>, vector<16xi32>
      %reduce_sum3A_918 = arith.constant true
      %reduce_sum3A_919 = vector.broadcast %reduce_sum3A_918 : i1 to vector<16xi1>
      %reduce_sum3A_920 = tpu.scan <sum>, %select_n3A_917 masked %reduce_sum3A_919 : vector<16xi32>, vector<16xi1> -> vector<16xi32>
      %reduce_sum3A_921 = vector.extract %reduce_sum3A_920[15] : i32 from vector<16xi32>
      %and3A_922 = arith.constant 127 : i32
      %and3A_923 = arith.andi %reduce_sum3A_921, %and3A_922 : i32
      %mul3A_924 = arith.constant 64 : i32
      %mul3A_925 = arith.muli %min3A_896, %mul3A_924 : i32
      %broadcast_in_dim3A_926 = vector.broadcast %and3A_923 : i32 to vector<16xi32>
      %iota3A_927 = tpu.iota {dimensions = array<i32: 0>} : vector<16xi32>
      %add3A_928 = arith.constant 0 : i32
      %add3A_929 = vector.broadcast %add3A_928 : i32 to vector<16xi32>
      %add3A_930 = arith.addi %iota3A_927, %add3A_929 : vector<16xi32>
      %gather3A_931 = tpu.vector_load_idx %arg12[%add3A_930, %broadcast_in_dim3A_926] : memref<64x128xf32, #tpu.memory_space<vmem>>[vector<16xi32>, vector<16xi32>], vector<16xf32>,
      %add3A_932 = arith.constant 0 : i32
      %add3A_933 = arith.addi %mul3A_925, %add3A_932 : i32
      %swap3A_934 = arith.index_cast %add3A_933 : i32 to index
      %swap3A_935 = tpu.vector_load %arg14[%swap3A_934] {strides = array<i32>} : memref<32768xf32, #tpu.memory_space<vmem>>, vector<16xf32>,
      tpu.vector_store %arg14[%swap3A_934], %gather3A_931 {strides = array<i32>} : memref<32768xf32, #tpu.memory_space<vmem>>, vector<16xf32>,
      %iota3A_936 = tpu.iota {dimensions = array<i32: 0>} : vector<16xi32>
      %add3A_937 = arith.constant 16 : i32
      %add3A_938 = vector.broadcast %add3A_937 : i32 to vector<16xi32>
      %add3A_939 = arith.addi %iota3A_936, %add3A_938 : vector<16xi32>
      %gather3A_940 = tpu.vector_load_idx %arg12[%add3A_939, %broadcast_in_dim3A_926] : memref<64x128xf32, #tpu.memory_space<vmem>>[vector<16xi32>, vector<16xi32>], vector<16xf32>,
      %add3A_941 = arith.constant 16 : i32
      %add3A_942 = arith.addi %mul3A_925, %add3A_941 : i32
      %swap3A_943 = arith.index_cast %add3A_942 : i32 to index
      %swap3A_944 = tpu.vector_load %arg14[%swap3A_943] {strides = array<i32>} : memref<32768xf32, #tpu.memory_space<vmem>>, vector<16xf32>,
      tpu.vector_store %arg14[%swap3A_943], %gather3A_940 {strides = array<i32>} : memref<32768xf32, #tpu.memory_space<vmem>>, vector<16xf32>,
      %iota3A_945 = tpu.iota {dimensions = array<i32: 0>} : vector<16xi32>
      %add3A_946 = arith.constant 32 : i32
      %add3A_947 = vector.broadcast %add3A_946 : i32 to vector<16xi32>
      %add3A_948 = arith.addi %iota3A_945, %add3A_947 : vector<16xi32>
      %gather3A_949 = tpu.vector_load_idx %arg12[%add3A_948, %broadcast_in_dim3A_926] : memref<64x128xf32, #tpu.memory_space<vmem>>[vector<16xi32>, vector<16xi32>], vector<16xf32>,
      %add3A_950 = arith.constant 32 : i32
      %add3A_951 = arith.addi %mul3A_925, %add3A_950 : i32
      %swap3A_952 = arith.index_cast %add3A_951 : i32 to index
      %swap3A_953 = tpu.vector_load %arg14[%swap3A_952] {strides = array<i32>} : memref<32768xf32, #tpu.memory_space<vmem>>, vector<16xf32>,
      tpu.vector_store %arg14[%swap3A_952], %gather3A_949 {strides = array<i32>} : memref<32768xf32, #tpu.memory_space<vmem>>, vector<16xf32>,
      %iota3A_954 = tpu.iota {dimensions = array<i32: 0>} : vector<16xi32>
      %add3A_955 = arith.constant 48 : i32
      %add3A_956 = vector.broadcast %add3A_955 : i32 to vector<16xi32>
      %add3A_957 = arith.addi %iota3A_954, %add3A_956 : vector<16xi32>
      %gather3A_958 = tpu.vector_load_idx %arg12[%add3A_957, %broadcast_in_dim3A_926] : memref<64x128xf32, #tpu.memory_space<vmem>>[vector<16xi32>, vector<16xi32>], vector<16xf32>,
      %add3A_959 = arith.constant 48 : i32
      %add3A_960 = arith.addi %mul3A_925, %add3A_959 : i32
      %swap3A_961 = arith.index_cast %add3A_960 : i32 to index
      %swap3A_962 = tpu.vector_load %arg14[%swap3A_961] {strides = array<i32>} : memref<32768xf32, #tpu.memory_space<vmem>>, vector<16xf32>,
      tpu.vector_store %arg14[%swap3A_961], %gather3A_958 {strides = array<i32>} : memref<32768xf32, #tpu.memory_space<vmem>>, vector<16xf32>,
      %add3A_963 = arith.constant 8 : i32
      %add3A_964 = arith.addi %min3A_896, %add3A_963 : i32
      %min3A_965 = arith.constant 511 : i32
      %min3A_966 = arith.minsi %add3A_964, %min3A_965 : i32
      %shift_right_logical3A_967 = arith.constant 4 : i32
      %shift_right_logical3A_968 = arith.shrui %min3A_966, %shift_right_logical3A_967 : i32
      %shift_left3A_969 = arith.constant 4 : i32
      %shift_left3A_970 = arith.shli %shift_right_logical3A_968, %shift_left3A_969 : i32
      %multiple_of3A_971 = tpu.assume_multiple %shift_left3A_970, 16 : i32
      %get3A_972 = arith.index_cast %multiple_of3A_971 : i32 to index
      %get3A_973 = tpu.vector_load %arg5[%get3A_972] {strides = array<i32>} : memref<512xi32, #tpu.memory_space<vmem>>, vector<16xi32>,
      %iota3A_974 = tpu.iota {dimensions = array<i32: 0>} : vector<16xi32>
      %and3A_975 = arith.constant 15 : i32
      %and3A_976 = arith.andi %min3A_966, %and3A_975 : i32
      %eq3A_977 = vector.broadcast %and3A_976 : i32 to vector<16xi32>
      %eq3A_978 = arith.cmpi eq, %iota3A_974, %eq3A_977 : vector<16xi32>
      %jit3A_979 = arith.constant 0 : i32
      %broadcast_in_dim3A_980 = vector.broadcast %jit3A_979 : i32 to vector<16xi32>
      %select_n3A_981 = arith.select %eq3A_978, %get3A_973, %broadcast_in_dim3A_980 : vector<16xi1>, vector<16xi32>
      %reduce_sum3A_982 = arith.constant true
      %reduce_sum3A_983 = vector.broadcast %reduce_sum3A_982 : i1 to vector<16xi1>
      %reduce_sum3A_984 = tpu.scan <sum>, %select_n3A_981 masked %reduce_sum3A_983 : vector<16xi32>, vector<16xi1> -> vector<16xi32>
      %reduce_sum3A_985 = vector.extract %reduce_sum3A_984[15] : i32 from vector<16xi32>
      %shift_right_logical3A_986 = arith.constant 7 : i32
      %shift_right_logical3A_987 = arith.shrui %reduce_sum3A_985, %shift_right_logical3A_986 : i32
      %shift_left3A_988 = arith.constant 7 : i32
      %shift_left3A_989 = arith.shli %shift_right_logical3A_987, %shift_left3A_988 : i32
      %multiple_of3A_990 = tpu.assume_multiple %shift_left3A_989, 128 : i32
      %dma_start3A_991 = arith.constant 0 : i32
      %dma_start3A_992 = tpu.memref_slice %arg2[%dma_start3A_991, %multiple_of3A_990] : memref<64x1000000xf32, #tpu.memory_space<hbm>> -> memref<64x128xf32, #tpu.memory_space<hbm>>
      %dma_start3A_993 = arith.constant 0 : i32
      %dma_start3A_994 = tpu.memref_slice %arg2[%dma_start3A_993, %multiple_of3A_990] : memref<64x1000000xf32, #tpu.memory_space<hbm>> -> memref<64x128xf32, #tpu.memory_space<hbm>>
      tpu.enqueue_dma source(%dma_start3A_994 : memref<64x128xf32, #tpu.memory_space<hbm>>) target(%arg12 : memref<64x128xf32, #tpu.memory_space<vmem>>) target_semaphore(%arg21 : memref<!tpu.dma_semaphore, #tpu.memory_space<semaphore_mem>>)
      %mul3A_995 = arith.constant 8 : i32
      %mul3A_996 = arith.muli %mul3A_995, %scan3A_270 : i32
      %add3A_997 = arith.constant 7 : i32
      %add3A_998 = arith.addi %mul3A_996, %add3A_997 : i32
      %min3A_999 = arith.constant 511 : i32
      %min3A_1000 = arith.minsi %add3A_998, %min3A_999 : i32
      %dma_wait3A_1001 = arith.constant 0 : i32
      %dma_wait3A_1002 = arith.constant 0 : i32
      %dma_wait3A_1003 = tpu.memref_slice %arg2[%dma_wait3A_1001, %dma_wait3A_1002] : memref<64x1000000xf32, #tpu.memory_space<hbm>> -> memref<64x128xf32, #tpu.memory_space<hbm>>
      %dma_wait3A_1004 = arith.constant 0 : i32
      %dma_wait3A_1005 = arith.constant 0 : i32
      %dma_wait3A_1006 = tpu.memref_slice %arg2[%dma_wait3A_1004, %dma_wait3A_1005] : memref<64x1000000xf32, #tpu.memory_space<hbm>> -> memref<64x128xf32, #tpu.memory_space<hbm>>
      tpu.wait_dma2 semaphore(%arg22 : memref<!tpu.dma_semaphore, #tpu.memory_space<semaphore_mem>>) src(%dma_wait3A_1006 : memref<64x128xf32, #tpu.memory_space<hbm>>) dst(%arg13 : memref<64x128xf32, #tpu.memory_space<vmem>>)
      %shift_right_logical3A_1007 = arith.constant 4 : i32
      %shift_right_logical3A_1008 = arith.shrui %min3A_1000, %shift_right_logical3A_1007 : i32
      %shift_left3A_1009 = arith.constant 4 : i32
      %shift_left3A_1010 = arith.shli %shift_right_logical3A_1008, %shift_left3A_1009 : i32
      %multiple_of3A_1011 = tpu.assume_multiple %shift_left3A_1010, 16 : i32
      %get3A_1012 = arith.index_cast %multiple_of3A_1011 : i32 to index
      %get3A_1013 = tpu.vector_load %arg5[%get3A_1012] {strides = array<i32>} : memref<512xi32, #tpu.memory_space<vmem>>, vector<16xi32>,
      %iota3A_1014 = tpu.iota {dimensions = array<i32: 0>} : vector<16xi32>
      %and3A_1015 = arith.constant 15 : i32
      %and3A_1016 = arith.andi %min3A_1000, %and3A_1015 : i32
      %eq3A_1017 = vector.broadcast %and3A_1016 : i32 to vector<16xi32>
      %eq3A_1018 = arith.cmpi eq, %iota3A_1014, %eq3A_1017 : vector<16xi32>
      %jit3A_1019 = arith.constant 0 : i32
      %broadcast_in_dim3A_1020 = vector.broadcast %jit3A_1019 : i32 to vector<16xi32>
      %select_n3A_1021 = arith.select %eq3A_1018, %get3A_1013, %broadcast_in_dim3A_1020 : vector<16xi1>, vector<16xi32>
      %reduce_sum3A_1022 = arith.constant true
      %reduce_sum3A_1023 = vector.broadcast %reduce_sum3A_1022 : i1 to vector<16xi1>
      %reduce_sum3A_1024 = tpu.scan <sum>, %select_n3A_1021 masked %reduce_sum3A_1023 : vector<16xi32>, vector<16xi1> -> vector<16xi32>
      %reduce_sum3A_1025 = vector.extract %reduce_sum3A_1024[15] : i32 from vector<16xi32>
      %and3A_1026 = arith.constant 127 : i32
      %and3A_1027 = arith.andi %reduce_sum3A_1025, %and3A_1026 : i32
      %mul3A_1028 = arith.constant 64 : i32
      %mul3A_1029 = arith.muli %min3A_1000, %mul3A_1028 : i32
      %broadcast_in_dim3A_1030 = vector.broadcast %and3A_1027 : i32 to vector<16xi32>
      %iota3A_1031 = tpu.iota {dimensions = array<i32: 0>} : vector<16xi32>
      %add3A_1032 = arith.constant 0 : i32
      %add3A_1033 = vector.broadcast %add3A_1032 : i32 to vector<16xi32>
      %add3A_1034 = arith.addi %iota3A_1031, %add3A_1033 : vector<16xi32>
      %gather3A_1035 = tpu.vector_load_idx %arg13[%add3A_1034, %broadcast_in_dim3A_1030] : memref<64x128xf32, #tpu.memory_space<vmem>>[vector<16xi32>, vector<16xi32>], vector<16xf32>,
      %add3A_1036 = arith.constant 0 : i32
      %add3A_1037 = arith.addi %mul3A_1029, %add3A_1036 : i32
      %swap3A_1038 = arith.index_cast %add3A_1037 : i32 to index
      %swap3A_1039 = tpu.vector_load %arg14[%swap3A_1038] {strides = array<i32>} : memref<32768xf32, #tpu.memory_space<vmem>>, vector<16xf32>,
      tpu.vector_store %arg14[%swap3A_1038], %gather3A_1035 {strides = array<i32>} : memref<32768xf32, #tpu.memory_space<vmem>>, vector<16xf32>,
      %iota3A_1040 = tpu.iota {dimensions = array<i32: 0>} : vector<16xi32>
      %add3A_1041 = arith.constant 16 : i32
      %add3A_1042 = vector.broadcast %add3A_1041 : i32 to vector<16xi32>
      %add3A_1043 = arith.addi %iota3A_1040, %add3A_1042 : vector<16xi32>
      %gather3A_1044 = tpu.vector_load_idx %arg13[%add3A_1043, %broadcast_in_dim3A_1030] : memref<64x128xf32, #tpu.memory_space<vmem>>[vector<16xi32>, vector<16xi32>], vector<16xf32>,
      %add3A_1045 = arith.constant 16 : i32
      %add3A_1046 = arith.addi %mul3A_1029, %add3A_1045 : i32
      %swap3A_1047 = arith.index_cast %add3A_1046 : i32 to index
      %swap3A_1048 = tpu.vector_load %arg14[%swap3A_1047] {strides = array<i32>} : memref<32768xf32, #tpu.memory_space<vmem>>, vector<16xf32>,
      tpu.vector_store %arg14[%swap3A_1047], %gather3A_1044 {strides = array<i32>} : memref<32768xf32, #tpu.memory_space<vmem>>, vector<16xf32>,
      %iota3A_1049 = tpu.iota {dimensions = array<i32: 0>} : vector<16xi32>
      %add3A_1050 = arith.constant 32 : i32
      %add3A_1051 = vector.broadcast %add3A_1050 : i32 to vector<16xi32>
      %add3A_1052 = arith.addi %iota3A_1049, %add3A_1051 : vector<16xi32>
      %gather3A_1053 = tpu.vector_load_idx %arg13[%add3A_1052, %broadcast_in_dim3A_1030] : memref<64x128xf32, #tpu.memory_space<vmem>>[vector<16xi32>, vector<16xi32>], vector<16xf32>,
      %add3A_1054 = arith.constant 32 : i32
      %add3A_1055 = arith.addi %mul3A_1029, %add3A_1054 : i32
      %swap3A_1056 = arith.index_cast %add3A_1055 : i32 to index
      %swap3A_1057 = tpu.vector_load %arg14[%swap3A_1056] {strides = array<i32>} : memref<32768xf32, #tpu.memory_space<vmem>>, vector<16xf32>,
      tpu.vector_store %arg14[%swap3A_1056], %gather3A_1053 {strides = array<i32>} : memref<32768xf32, #tpu.memory_space<vmem>>, vector<16xf32>,
      %iota3A_1058 = tpu.iota {dimensions = array<i32: 0>} : vector<16xi32>
      %add3A_1059 = arith.constant 48 : i32
      %add3A_1060 = vector.broadcast %add3A_1059 : i32 to vector<16xi32>
      %add3A_1061 = arith.addi %iota3A_1058, %add3A_1060 : vector<16xi32>
      %gather3A_1062 = tpu.vector_load_idx %arg13[%add3A_1061, %broadcast_in_dim3A_1030] : memref<64x128xf32, #tpu.memory_space<vmem>>[vector<16xi32>, vector<16xi32>], vector<16xf32>,
      %add3A_1063 = arith.constant 48 : i32
      %add3A_1064 = arith.addi %mul3A_1029, %add3A_1063 : i32
      %swap3A_1065 = arith.index_cast %add3A_1064 : i32 to index
      %swap3A_1066 = tpu.vector_load %arg14[%swap3A_1065] {strides = array<i32>} : memref<32768xf32, #tpu.memory_space<vmem>>, vector<16xf32>,
      tpu.vector_store %arg14[%swap3A_1065], %gather3A_1062 {strides = array<i32>} : memref<32768xf32, #tpu.memory_space<vmem>>, vector<16xf32>,
      %add3A_1067 = arith.constant 8 : i32
      %add3A_1068 = arith.addi %min3A_1000, %add3A_1067 : i32
      %min3A_1069 = arith.constant 511 : i32
      %min3A_1070 = arith.minsi %add3A_1068, %min3A_1069 : i32
      %shift_right_logical3A_1071 = arith.constant 4 : i32
      %shift_right_logical3A_1072 = arith.shrui %min3A_1070, %shift_right_logical3A_1071 : i32
      %shift_left3A_1073 = arith.constant 4 : i32
      %shift_left3A_1074 = arith.shli %shift_right_logical3A_1072, %shift_left3A_1073 : i32
      %multiple_of3A_1075 = tpu.assume_multiple %shift_left3A_1074, 16 : i32
      %get3A_1076 = arith.index_cast %multiple_of3A_1075 : i32 to index
      %get3A_1077 = tpu.vector_load %arg5[%get3A_1076] {strides = array<i32>} : memref<512xi32, #tpu.memory_space<vmem>>, vector<16xi32>,
      %iota3A_1078 = tpu.iota {dimensions = array<i32: 0>} : vector<16xi32>
      %and3A_1079 = arith.constant 15 : i32
      %and3A_1080 = arith.andi %min3A_1070, %and3A_1079 : i32
      %eq3A_1081 = vector.broadcast %and3A_1080 : i32 to vector<16xi32>
      %eq3A_1082 = arith.cmpi eq, %iota3A_1078, %eq3A_1081 : vector<16xi32>
      %jit3A_1083 = arith.constant 0 : i32
      %broadcast_in_dim3A_1084 = vector.broadcast %jit3A_1083 : i32 to vector<16xi32>
      %select_n3A_1085 = arith.select %eq3A_1082, %get3A_1077, %broadcast_in_dim3A_1084 : vector<16xi1>, vector<16xi32>
      %reduce_sum3A_1086 = arith.constant true
      %reduce_sum3A_1087 = vector.broadcast %reduce_sum3A_1086 : i1 to vector<16xi1>
      %reduce_sum3A_1088 = tpu.scan <sum>, %select_n3A_1085 masked %reduce_sum3A_1087 : vector<16xi32>, vector<16xi1> -> vector<16xi32>
      %reduce_sum3A_1089 = vector.extract %reduce_sum3A_1088[15] : i32 from vector<16xi32>
      %shift_right_logical3A_1090 = arith.constant 7 : i32
      %shift_right_logical3A_1091 = arith.shrui %reduce_sum3A_1089, %shift_right_logical3A_1090 : i32
      %shift_left3A_1092 = arith.constant 7 : i32
      %shift_left3A_1093 = arith.shli %shift_right_logical3A_1091, %shift_left3A_1092 : i32
      %multiple_of3A_1094 = tpu.assume_multiple %shift_left3A_1093, 128 : i32
      %dma_start3A_1095 = arith.constant 0 : i32
      %dma_start3A_1096 = tpu.memref_slice %arg2[%dma_start3A_1095, %multiple_of3A_1094] : memref<64x1000000xf32, #tpu.memory_space<hbm>> -> memref<64x128xf32, #tpu.memory_space<hbm>>
      %dma_start3A_1097 = arith.constant 0 : i32
      %dma_start3A_1098 = tpu.memref_slice %arg2[%dma_start3A_1097, %multiple_of3A_1094] : memref<64x1000000xf32, #tpu.memory_space<hbm>> -> memref<64x128xf32, #tpu.memory_space<hbm>>
      tpu.enqueue_dma source(%dma_start3A_1098 : memref<64x128xf32, #tpu.memory_space<hbm>>) target(%arg13 : memref<64x128xf32, #tpu.memory_space<vmem>>) target_semaphore(%arg22 : memref<!tpu.dma_semaphore, #tpu.memory_space<semaphore_mem>>)
    }
    %scan3A_220 = arith.constant 64 : i32
    %dma_wait3A = arith.constant 0 : i32
    %dma_wait3A_221 = arith.constant 0 : i32
    %dma_wait3A_222 = tpu.memref_slice %arg2[%dma_wait3A, %dma_wait3A_221] : memref<64x1000000xf32, #tpu.memory_space<hbm>> -> memref<64x128xf32, #tpu.memory_space<hbm>>
    %dma_wait3A_223 = arith.constant 0 : i32
    %dma_wait3A_224 = arith.constant 0 : i32
    %dma_wait3A_225 = tpu.memref_slice %arg2[%dma_wait3A_223, %dma_wait3A_224] : memref<64x1000000xf32, #tpu.memory_space<hbm>> -> memref<64x128xf32, #tpu.memory_space<hbm>>
    tpu.wait_dma2 semaphore(%arg15 : memref<!tpu.dma_semaphore, #tpu.memory_space<semaphore_mem>>) src(%dma_wait3A_225 : memref<64x128xf32, #tpu.memory_space<hbm>>) dst(%arg6 : memref<64x128xf32, #tpu.memory_space<vmem>>)
    %dma_wait3A_226 = arith.constant 0 : i32
    %dma_wait3A_227 = arith.constant 0 : i32
    %dma_wait3A_228 = tpu.memref_slice %arg2[%dma_wait3A_226, %dma_wait3A_227] : memref<64x1000000xf32, #tpu.memory_space<hbm>> -> memref<64x128xf32, #tpu.memory_space<hbm>>
    %dma_wait3A_229 = arith.constant 0 : i32
    %dma_wait3A_230 = arith.constant 0 : i32
    %dma_wait3A_231 = tpu.memref_slice %arg2[%dma_wait3A_229, %dma_wait3A_230] : memref<64x1000000xf32, #tpu.memory_space<hbm>> -> memref<64x128xf32, #tpu.memory_space<hbm>>
    tpu.wait_dma2 semaphore(%arg16 : memref<!tpu.dma_semaphore, #tpu.memory_space<semaphore_mem>>) src(%dma_wait3A_231 : memref<64x128xf32, #tpu.memory_space<hbm>>) dst(%arg7 : memref<64x128xf32, #tpu.memory_space<vmem>>)
    %dma_wait3A_232 = arith.constant 0 : i32
    %dma_wait3A_233 = arith.constant 0 : i32
    %dma_wait3A_234 = tpu.memref_slice %arg2[%dma_wait3A_232, %dma_wait3A_233] : memref<64x1000000xf32, #tpu.memory_space<hbm>> -> memref<64x128xf32, #tpu.memory_space<hbm>>
    %dma_wait3A_235 = arith.constant 0 : i32
    %dma_wait3A_236 = arith.constant 0 : i32
    %dma_wait3A_237 = tpu.memref_slice %arg2[%dma_wait3A_235, %dma_wait3A_236] : memref<64x1000000xf32, #tpu.memory_space<hbm>> -> memref<64x128xf32, #tpu.memory_space<hbm>>
    tpu.wait_dma2 semaphore(%arg17 : memref<!tpu.dma_semaphore, #tpu.memory_space<semaphore_mem>>) src(%dma_wait3A_237 : memref<64x128xf32, #tpu.memory_space<hbm>>) dst(%arg8 : memref<64x128xf32, #tpu.memory_space<vmem>>)
    %dma_wait3A_238 = arith.constant 0 : i32
    %dma_wait3A_239 = arith.constant 0 : i32
    %dma_wait3A_240 = tpu.memref_slice %arg2[%dma_wait3A_238, %dma_wait3A_239] : memref<64x1000000xf32, #tpu.memory_space<hbm>> -> memref<64x128xf32, #tpu.memory_space<hbm>>
    %dma_wait3A_241 = arith.constant 0 : i32
    %dma_wait3A_242 = arith.constant 0 : i32
    %dma_wait3A_243 = tpu.memref_slice %arg2[%dma_wait3A_241, %dma_wait3A_242] : memref<64x1000000xf32, #tpu.memory_space<hbm>> -> memref<64x128xf32, #tpu.memory_space<hbm>>
    tpu.wait_dma2 semaphore(%arg18 : memref<!tpu.dma_semaphore, #tpu.memory_space<semaphore_mem>>) src(%dma_wait3A_243 : memref<64x128xf32, #tpu.memory_space<hbm>>) dst(%arg9 : memref<64x128xf32, #tpu.memory_space<vmem>>)
    %dma_wait3A_244 = arith.constant 0 : i32
    %dma_wait3A_245 = arith.constant 0 : i32
    %dma_wait3A_246 = tpu.memref_slice %arg2[%dma_wait3A_244, %dma_wait3A_245] : memref<64x1000000xf32, #tpu.memory_space<hbm>> -> memref<64x128xf32, #tpu.memory_space<hbm>>
    %dma_wait3A_247 = arith.constant 0 : i32
    %dma_wait3A_248 = arith.constant 0 : i32
    %dma_wait3A_249 = tpu.memref_slice %arg2[%dma_wait3A_247, %dma_wait3A_248] : memref<64x1000000xf32, #tpu.memory_space<hbm>> -> memref<64x128xf32, #tpu.memory_space<hbm>>
    tpu.wait_dma2 semaphore(%arg19 : memref<!tpu.dma_semaphore, #tpu.memory_space<semaphore_mem>>) src(%dma_wait3A_249 : memref<64x128xf32, #tpu.memory_space<hbm>>) dst(%arg10 : memref<64x128xf32, #tpu.memory_space<vmem>>)
    %dma_wait3A_250 = arith.constant 0 : i32
    %dma_wait3A_251 = arith.constant 0 : i32
    %dma_wait3A_252 = tpu.memref_slice %arg2[%dma_wait3A_250, %dma_wait3A_251] : memref<64x1000000xf32, #tpu.memory_space<hbm>> -> memref<64x128xf32, #tpu.memory_space<hbm>>
    %dma_wait3A_253 = arith.constant 0 : i32
    %dma_wait3A_254 = arith.constant 0 : i32
    %dma_wait3A_255 = tpu.memref_slice %arg2[%dma_wait3A_253, %dma_wait3A_254] : memref<64x1000000xf32, #tpu.memory_space<hbm>> -> memref<64x128xf32, #tpu.memory_space<hbm>>
    tpu.wait_dma2 semaphore(%arg20 : memref<!tpu.dma_semaphore, #tpu.memory_space<semaphore_mem>>) src(%dma_wait3A_255 : memref<64x128xf32, #tpu.memory_space<hbm>>) dst(%arg11 : memref<64x128xf32, #tpu.memory_space<vmem>>)
    %dma_wait3A_256 = arith.constant 0 : i32
    %dma_wait3A_257 = arith.constant 0 : i32
    %dma_wait3A_258 = tpu.memref_slice %arg2[%dma_wait3A_256, %dma_wait3A_257] : memref<64x1000000xf32, #tpu.memory_space<hbm>> -> memref<64x128xf32, #tpu.memory_space<hbm>>
    %dma_wait3A_259 = arith.constant 0 : i32
    %dma_wait3A_260 = arith.constant 0 : i32
    %dma_wait3A_261 = tpu.memref_slice %arg2[%dma_wait3A_259, %dma_wait3A_260] : memref<64x1000000xf32, #tpu.memory_space<hbm>> -> memref<64x128xf32, #tpu.memory_space<hbm>>
    tpu.wait_dma2 semaphore(%arg21 : memref<!tpu.dma_semaphore, #tpu.memory_space<semaphore_mem>>) src(%dma_wait3A_261 : memref<64x128xf32, #tpu.memory_space<hbm>>) dst(%arg12 : memref<64x128xf32, #tpu.memory_space<vmem>>)
    %dma_wait3A_262 = arith.constant 0 : i32
    %dma_wait3A_263 = arith.constant 0 : i32
    %dma_wait3A_264 = tpu.memref_slice %arg2[%dma_wait3A_262, %dma_wait3A_263] : memref<64x1000000xf32, #tpu.memory_space<hbm>> -> memref<64x128xf32, #tpu.memory_space<hbm>>
    %dma_wait3A_265 = arith.constant 0 : i32
    %dma_wait3A_266 = arith.constant 0 : i32
    %dma_wait3A_267 = tpu.memref_slice %arg2[%dma_wait3A_265, %dma_wait3A_266] : memref<64x1000000xf32, #tpu.memory_space<hbm>> -> memref<64x128xf32, #tpu.memory_space<hbm>>
    tpu.wait_dma2 semaphore(%arg22 : memref<!tpu.dma_semaphore, #tpu.memory_space<semaphore_mem>>) src(%dma_wait3A_267 : memref<64x128xf32, #tpu.memory_space<hbm>>) dst(%arg13 : memref<64x128xf32, #tpu.memory_space<vmem>>)
    %mul3A_268 = arith.constant 64 : i32
    %mul3A_269 = arith.muli %mul3A_2, %mul3A_268 : i32
    "tpu.region"() ({
      %run_scoped3A = tpu.sem_alloc : memref<!tpu.dma_semaphore, #tpu.memory_space<semaphore_mem>>
      %dma_start3A_270 = tpu.memref_slice %arg4[%mul3A_269] : memref<1048576xf32, #tpu.memory_space<hbm>> -> memref<32768xf32, #tpu.memory_space<hbm>>
      %dma_start3A_271 = tpu.memref_slice %arg4[%mul3A_269] : memref<1048576xf32, #tpu.memory_space<hbm>> -> memref<32768xf32, #tpu.memory_space<hbm>>
      tpu.enqueue_dma source(%arg14 : memref<32768xf32, #tpu.memory_space<vmem>>) target(%dma_start3A_271 : memref<32768xf32, #tpu.memory_space<hbm>>) target_semaphore(%run_scoped3A : memref<!tpu.dma_semaphore, #tpu.memory_space<semaphore_mem>>)
      %dma_wait3A_272 = tpu.memref_slice %arg4[%mul3A_269] : memref<1048576xf32, #tpu.memory_space<hbm>> -> memref<32768xf32, #tpu.memory_space<hbm>>
      %dma_wait3A_273 = tpu.memref_slice %arg4[%mul3A_269] : memref<1048576xf32, #tpu.memory_space<hbm>> -> memref<32768xf32, #tpu.memory_space<hbm>>
      tpu.wait_dma2 semaphore(%run_scoped3A : memref<!tpu.dma_semaphore, #tpu.memory_space<semaphore_mem>>) src(%arg14 : memref<32768xf32, #tpu.memory_space<vmem>>) dst(%dma_wait3A_273 : memref<32768xf32, #tpu.memory_space<hbm>>)
      tpu.yield
    }) : () -> ()
    return
  }
}

module attributes {stable_mosaic.version = 14 : i64} {
  func.func @_mlp_body(%arg0: i32, %arg1: memref<2048x64xf32, #tpu.memory_space<vmem>>, %arg2: memref<64x64xf32, #tpu.memory_space<vmem>>, %arg3: memref<1x64xf32, #tpu.memory_space<vmem>>, %arg4: memref<64x64xf32, #tpu.memory_space<vmem>>, %arg5: memref<1x64xf32, #tpu.memory_space<vmem>>, %arg6: memref<64x2048xf32, #tpu.memory_space<vmem>>) attributes {dimension_semantics = [#tpu.dimension_semantics<arbitrary>], iteration_bounds = array<i64: 8>, scalar_prefetch = 0 : i64, scratch_operands = 0 : i64, tpu.core_type = #tpu.core_type<tc>, window_params = [{transform_indices = @transform_0, window_bounds = array<i64: 2048, 64>}, {pipeline_mode = #tpu.pipeline_mode<synchronous>, transform_indices = @transform_1, window_bounds = array<i64: 64, 64>}, {pipeline_mode = #tpu.pipeline_mode<synchronous>, transform_indices = @transform_2, window_bounds = array<i64: 1, 64>}, {pipeline_mode = #tpu.pipeline_mode<synchronous>, transform_indices = @transform_3, window_bounds = array<i64: 64, 64>}, {pipeline_mode = #tpu.pipeline_mode<synchronous>, transform_indices = @transform_4, window_bounds = array<i64: 1, 64>}, {transform_indices = @transform_5, window_bounds = array<i64: 64, 2048>}]} {
    %get3A = arith.constant 0 : index
    %get3A_0 = arith.constant 0 : index
    %get3A_1 = vector.load %arg1[%get3A, %get3A_0] : memref<2048x64xf32, #tpu.memory_space<vmem>>, vector<2048x64xf32>
    %get3A_2 = arith.constant 0 : index
    %get3A_3 = arith.constant 0 : index
    %get3A_4 = vector.load %arg2[%get3A_2, %get3A_3] : memref<64x64xf32, #tpu.memory_space<vmem>>, vector<64x64xf32>
    %dot_general3A = arith.constant dense<0.000000e+00> : vector<2048x64xf32>
    %dot_general3A_5 = tpu.matmul %get3A_1, %get3A_4, %dot_general3A {dimension_numbers = #tpu.dot_dimension_numbers<[1], [0], [0], [1], [0, 0, 1, 1], [], []>, transpose_lhs_hint = false} : vector<2048x64xf32>, vector<64x64xf32>, vector<2048x64xf32> -> vector<2048x64xf32>
    %get3A_6 = arith.constant 0 : index
    %get3A_7 = arith.constant 0 : index
    %get3A_8 = vector.load %arg3[%get3A_6, %get3A_7] : memref<1x64xf32, #tpu.memory_space<vmem>>, vector<1x64xf32>
    %add3A = vector.broadcast %get3A_8 : vector<1x64xf32> to vector<2048x64xf32>
    %add3A_9 = arith.addf %dot_general3A_5, %add3A : vector<2048x64xf32>
    %logistic3A = arith.negf %add3A_9 : vector<2048x64xf32>
    %logistic3A_10 = math.exp %logistic3A : vector<2048x64xf32>
    %logistic3A_11 = arith.constant 1.000000e+00 : f32
    %logistic3A_12 = vector.broadcast %logistic3A_11 : f32 to vector<2048x64xf32>
    %logistic3A_13 = arith.addf %logistic3A_12, %logistic3A_10 : vector<2048x64xf32>
    %logistic3A_14 = arith.divf %logistic3A_12, %logistic3A_13 : vector<2048x64xf32>
    %mul3A = arith.mulf %add3A_9, %logistic3A_14 : vector<2048x64xf32>
    %get3A_15 = arith.constant 0 : index
    %get3A_16 = arith.constant 0 : index
    %get3A_17 = vector.load %arg4[%get3A_15, %get3A_16] : memref<64x64xf32, #tpu.memory_space<vmem>>, vector<64x64xf32>
    %dot_general3A_18 = arith.constant dense<0.000000e+00> : vector<2048x64xf32>
    %dot_general3A_19 = tpu.matmul %mul3A, %get3A_17, %dot_general3A_18 {dimension_numbers = #tpu.dot_dimension_numbers<[1], [0], [0], [1], [0, 0, 1, 1], [], []>, transpose_lhs_hint = false} : vector<2048x64xf32>, vector<64x64xf32>, vector<2048x64xf32> -> vector<2048x64xf32>
    %get3A_20 = arith.constant 0 : index
    %get3A_21 = arith.constant 0 : index
    %get3A_22 = vector.load %arg5[%get3A_20, %get3A_21] : memref<1x64xf32, #tpu.memory_space<vmem>>, vector<1x64xf32>
    %add3A_23 = vector.broadcast %get3A_22 : vector<1x64xf32> to vector<2048x64xf32>
    %add3A_24 = arith.addf %dot_general3A_19, %add3A_23 : vector<2048x64xf32>
    %transpose3A = tpu.transpose %add3A_24, [1, 0] : vector<2048x64xf32> -> vector<64x2048xf32>
    %swap3A = arith.constant 0 : index
    %swap3A_25 = arith.constant 0 : index
    %swap3A_26 = vector.load %arg6[%swap3A, %swap3A_25] : memref<64x2048xf32, #tpu.memory_space<vmem>>, vector<64x2048xf32>
    tpu.vector_store %arg6[%swap3A, %swap3A_25], %transpose3A {strides = array<i32>} : memref<64x2048xf32, #tpu.memory_space<vmem>>, vector<64x2048xf32>,
    return
  }
  func.func @transform_0(%arg0: i32) -> (i32, i32) {
    %c0_i32 = arith.constant 0 : i32
    %c0_i32_0 = arith.constant 0 : i32
    return %arg0, %c0_i32 : i32, i32
  }
  func.func @transform_1(%arg0: i32) -> (i32, i32) {
    %c0_i32 = arith.constant 0 : i32
    %c0_i32_0 = arith.constant 0 : i32
    %c0_i32_1 = arith.constant 0 : i32
    return %c0_i32, %c0_i32_0 : i32, i32
  }
  func.func @transform_2(%arg0: i32) -> (i32, i32) {
    %c0_i32 = arith.constant 0 : i32
    %c0_i32_0 = arith.constant 0 : i32
    %c0_i32_1 = arith.constant 0 : i32
    return %c0_i32, %c0_i32_0 : i32, i32
  }
  func.func @transform_3(%arg0: i32) -> (i32, i32) {
    %c0_i32 = arith.constant 0 : i32
    %c0_i32_0 = arith.constant 0 : i32
    %c0_i32_1 = arith.constant 0 : i32
    return %c0_i32, %c0_i32_0 : i32, i32
  }
  func.func @transform_4(%arg0: i32) -> (i32, i32) {
    %c0_i32 = arith.constant 0 : i32
    %c0_i32_0 = arith.constant 0 : i32
    %c0_i32_1 = arith.constant 0 : i32
    return %c0_i32, %c0_i32_0 : i32, i32
  }
  func.func @transform_5(%arg0: i32) -> (i32, i32) {
    %c0_i32 = arith.constant 0 : i32
    %c0_i32_0 = arith.constant 0 : i32
    return %c0_i32, %arg0 : i32, i32
  }
}

</mosaic_0001>

<sc_bundles>
// kernel: kernel.4.cloned.1.call-start
scs
__scs_entry_jumppad:
0x0: {  	(pc) =	sbr.rel $0x88, $3  }
0x1: {  	(tag) =	ssettag $0x0;
	lr =	simm.s32 $0x1  }
0x2: {  	[smem:$0x3F9B] =	sst lr;
	_ =	strace $0xD0000000  }
0x3: {  	_ = 	snop  }
0x4: {  	_ = 	snop  }
0x5: {  	_ = 	snop  }
0x6: {  	_ = 	snop  }
0x7: {  	_ = 	snop  }
__scs_overlays_trampoline_lowered:
0x8: {  	[smem:$0x3FAA] =	sst s0  }
0x9: {  	[smem:$0x3FAB] =	sst s1  }
0xa: {  	[smem:$0x3FAC] =	sst s2  }
0xb: {  	[smem:$0x3FAD] =	sst s3  }
0xc: {  	[smem:$0x3FAE] =	sst s4  }
0xd: {  	[smem:$0x3FAF] =	sst s5  }
0xe: {  	[smem:$0x3FB0] =	sst s6  }
0xf: {  	[smem:$0x3FB1] =	sst s7  }
0x10: {  	[smem:$0x3FB2] =	sst s8  }
0x11: {  	[smem:$0x3FB3] =	sst s9;
	s0 =	simm.s32 @!p0 $0x0  }
0x12: {  	s1 =	sld [smem:$0x3F99];
	s0 =	simm.s32 @p0 $0x1  }
0x13: {  	[smem:$0x3FB4] =	sst s0;
	s0 =	simm.s32 @!p1 $0x0  }
0x14: {  	s2 =	sld [smem:$0x3F98];
	s0 =	simm.s32 @p1 $0x1  }
0x15: {  	[smem:$0x3FB5] =	sst s0;
	s0 =	simm.s32 @!p2 $0x0  }
0x16: {  	s3 =	sld [smem:$0x3FDB];
	s0 =	simm.s32 @p2 $0x1  }
0x17: {  	s4 =	simm.s32 $0x1BF5;
	[smem:$0x3FB7] =	sst s0  }
0x18: {  	s0 =	sld [smem:$0x3F9A];
	_ =	swait.ge [sflag:s4], $0x0  }
0x19: {  	s7 =	sld [smem:$0x3F9B]  }
0x1a: {  	s8 =	sadd.s32 $0xFFFFE003, lr  }
0x1b: {  	s9 =	sadd.s32 $0xFFFFFEF7, lr;
	s5 =	simm.s32 $0xFFFFFFFF;
	p2 =	slt.u32 s8, $0xFFFFF086  }
0x1c: {  	p1 =	slt.u32 s9, $0xF7A;
	s5 =	simm.s32 @!p2 $0x0  }
0x1d: {  	s5 =	simm.s32 @p1 $0x1;
	p0 =	seq.s32 s7, s2  }
0x1e: {  	s7 =	smul.u32 @!p0 $0xF7A, s2;
	p2 =	seq.s32 @!p0 s5, $0x0  }
0x1f: {  	s9 =	smul.u32 $0xF7A, s1;
	s8 =	simm.s32 @!p0 $0x1BF5;
	p2 =	por !p2, p0  }
0x20: {  	[sflag:s8] =	ssyncset.s32 @!p0 $0xFFFFF086;
	s6 =	sadd.s32 @!p0 s3, s7;
	s7 =	simm.s32 @!p0 $0x108  }
0x21: {  	s3 =	sadd.s32 s3, s9;
	s6 =	sadd.s32 @!p0 $0x88, s6;
	s7 =	simm.s32 @p2 $0x1082  }
0x22: {  	[simem:s7], [sflag:s8] =	dma.local @!p0 [hbm:s6], $0xF7A  }
0x23: {  	s9 =	sor.u32 $0xD0000000, s2;
	s6 =	simm.s32 $0x108;
	_ =	swait.ge @!p0 [sflag:s8], $0x0  }
0x24: {  	s3 =	sadd.s32 $0x88, s3;
	s6 =	simm.s32 @!p1 $0x1082;
	[sflag:s4] =	ssyncset.s32 $0xFFFFF086  }
0x25: {  	[simem:s6], [sflag:s4] =	dma.local [hbm:s3], $0xF7A  }
0x26: {  	[smem:$0x3F9B] =	sst s1;
	(tag) =	ssettag s2;
	_ =	strace s9  }
0x27: {  	s1 =	sld [smem:$0x3FAB]  }
0x28: {  	s2 =	sld [smem:$0x3FAC]  }
0x29: {  	s4 =	sld [smem:$0x3FAE]  }
0x2a: {  	p0 =	seq.s32 s5, $0x0;
	s5 =	sld [smem:$0x3FAF]  }
0x2b: {  	s6 =	sld [smem:$0x3FB0]  }
0x2c: {  	s7 =	sld [smem:$0x3FB1]  }
0x2d: {  	s3 =	simm.s32 $0x108;
	s8 =	sld [smem:$0x3FB2]  }
0x2e: {  	s3 =	simm.s32 @!p0 $0x1082;
	s9 =	sld [smem:$0x3FB3]  }
0x2f: {  	lr =	sadd.s32 s0, s3;
	s0 =	sld [smem:$0x3FAA]  }
0x30: {  	s3 =	sld [smem:$0x3FAD]  }
0x31: {  	[smem:$0x3FB6] =	sst s10  }
0x32: {  	s10 =	sld [smem:$0x3FB4];
	_ =	sdelay $0x3  }
0x33: {  	p0 =	seq.s32 s10, $0x1;
	s10 =	sld [smem:$0x3FB6];
	_ =	sdelay $0x3  }
0x34: {  	[smem:$0x3FB6] =	sst s10  }
0x35: {  	s10 =	sld [smem:$0x3FB5];
	_ =	sdelay $0x3  }
0x36: {  	p1 =	seq.s32 s10, $0x1;
	s10 =	sld [smem:$0x3FB6];
	_ =	sdelay $0x3  }
0x37: {  	[smem:$0x3FB6] =	sst s10  }
0x38: {  	s10 =	sld [smem:$0x3FB7]  }
0x39: {  	_ = 	snop;
	(pc) =	sbr.ind lr, $3  }
0x3a: {  	_ = 	snop  }
0x3b: {  	_ = 	snop  }
0x3c: {  	p2 =	seq.s32 s10, $0x1;
	s10 =	sld [smem:$0x3FB6]  }
0x3d: {  	_ =	shalt  }
0x3e: {  	_ =	shalt  }
0x3f: {  	_ =	shalt  }
0x40: {  	_ =	shalt  }
0x41: {  	_ =	shalt  }
0x42: {  	_ =	shalt  }
0x43: {  	_ =	shalt  }
0x44: {  	_ =	shalt  }
0x45: {  	_ =	shalt  }
0x46: {  	_ =	shalt  }
0x47: {  	_ =	shalt  }
0x48: {  	_ =	shalt  }
0x49: {  	_ =	shalt  }
0x4a: {  	_ =	shalt  }
0x4b: {  	_ =	shalt  }
0x4c: {  	_ =	shalt  }
0x4d: {  	_ =	shalt  }
0x4e: {  	_ =	shalt  }
0x4f: {  	_ =	shalt  }
0x50: {  	_ =	shalt  }
0x51: {  	_ =	shalt  }
0x52: {  	_ =	shalt  }
0x53: {  	_ =	shalt  }
0x54: {  	_ =	shalt  }
0x55: {  	_ =	shalt  }
0x56: {  	_ =	shalt  }
0x57: {  	_ =	shalt  }
0x58: {  	_ =	shalt  }
0x59: {  	_ =	shalt  }
0x5a: {  	_ =	shalt  }
0x5b: {  	_ =	shalt  }
0x5c: {  	_ =	shalt  }
0x5d: {  	_ =	shalt  }
0x5e: {  	_ =	shalt  }
0x5f: {  	_ =	shalt  }
0x60: {  	_ =	shalt  }
0x61: {  	_ =	shalt  }
0x62: {  	_ =	shalt  }
0x63: {  	_ =	shalt  }
0x64: {  	_ =	shalt  }
0x65: {  	_ =	shalt  }
0x66: {  	_ =	shalt  }
0x67: {  	_ =	shalt  }
0x68: {  	_ =	shalt  }
0x69: {  	_ =	shalt  }
0x6a: {  	_ =	shalt  }
0x6b: {  	_ =	shalt  }
0x6c: {  	_ =	shalt  }
0x6d: {  	_ =	shalt  }
0x6e: {  	_ =	shalt  }
0x6f: {  	_ =	shalt  }
0x70: {  	_ =	shalt  }
0x71: {  	_ =	shalt  }
0x72: {  	_ =	shalt  }
0x73: {  	_ =	shalt  }
0x74: {  	_ =	shalt  }
0x75: {  	_ =	shalt  }
0x76: {  	_ =	shalt  }
0x77: {  	_ =	shalt  }
0x78: {  	_ =	shalt  }
0x79: {  	_ =	shalt  }
0x7a: {  	_ =	shalt  }
0x7b: {  	_ =	shalt  }
0x7c: {  	_ =	shalt  }
0x7d: {  	_ =	shalt  }
0x7e: {  	_ =	shalt  }
0x7f: {  	_ =	shalt  }
0x80: {  	_ =	shalt  }
0x81: {  	_ =	shalt  }
0x82: {  	_ =	shalt  }
0x83: {  	_ =	shalt  }
0x84: {  	_ =	shalt  }
0x85: {  	_ =	shalt  }
0x86: {  	_ =	shalt  }
0x87: {  	_ =	shalt  }
.Lfunc_end0:
.L_simem_size_0:
called_computation_lowered:
.L_overlay_start_0:
0x88: {  	s2 =	sld [smem:$0x3FD9]  }
0x89: {  	s3 =	sld [smem:$0x3FFE];
	_ =	sdelay $0x1  }
0x8a: {  	s1 =	srdreg.scid  }
0x8b: {  	s0 =	sand.u32 $0x1, s1  }
0x8c: {  	s18 =	sshll.u32 s0, $0xA;
	s2 =	sadd.s32 s3, s2  }
0x8d: {  	s2 =	sadd.s32 s2, s18  }
0x8e: {  	[smem:$0x3FC2] =	sst s2  }
0x8f: {  	_ = 	snop  }
0x90: {  	s2 =	sld [smem:$0x3FC9]  }
0x91: {  	s19 =	sld [smem:$0x3FC8]  }
0x92: {  	s4 =	sld [smem:$0x3FD0];
	(tm) =	ssettm $0x1  }
0x93: {  	s5 =	sld [smem:$0x3FFB];
	_ =	sdelay $0x3  }
0x94: {  	_ =	strace s5  }
0x95: {  	s5 =	sld [smem:$0x3FFC];
	_ =	sdelay $0x3  }
0x96: {  	_ =	strace s5  }
0x97: {  	s5 =	sld [smem:$0x3FFD];
	_ =	sdelay $0x3  }
0x98: {  	_ =	strace s5  }
0x99: {  	_ =	strace $0x8FFFFFFF  }
0x9a: {  	s20 =	sld [smem:$0x3FDB];
	_ =	sdelay $0x1  }
0x9b: {  	s6 =	simm.s32 $_scs_section_size  }
0x9c: {  	s7 =	simm.s32 $_size__tile_overlayer_lowered;
	s8 =	simm.s32 $_tile_overlayer_lowered  }
0x9d: {  	s23 =	simm.s32 $0x1BFF;
	s22 =	sshll.u32 s8, $0x1;
	s5 =	sadd.s32 s6, s20  }
0x9e: {  	s9 =	simm.s32 $0x0;
	s21 =	sshll.u32 s7, $0x1;
	s7 =	sadd.s32 s22, s5  }
0x9f: {  	[timem:s9], [sflag:s23] =	dma.local [hbm:s7], s21  }
0xa0: {  	_ =	swait.ge [sflag:s23], s21  }
0xa1: {  	s6 =	ssub.s32 $0x0, s21;
	[sflag:s23] =	ssyncset.done $0x0  }
0xa2: {  	[sflag:s23] =	ssyncadd.s32 s6;
	_ =	sdelay $0x1  }
0xa3: {  	s24 =	simm.s32 $0x1B8B  }
0xa4: {  	_ =	swait.ge [sflag:s24], $0x1  }
0xa5: {  	[sflag:s24] =	ssyncset.done $0x0  }
0xa6: {  	s25 =	simm.s32 $0x1B8E;
	[sflag:s24] =	ssyncadd.s32 $0xFFFFFFFF  }
0xa7: {  	s26 =	simm.s32 $execute0_lowered;
	[smem:$0x3FD2] =	sst s25  }
0xa8: {  	s6 =	sshll.u32 s26, $0x1;
	_ =	strace $0x80000046;
	[dreg:$0x1] =	wrdreg $0xFFFFFFFF  }
0xa9: {  	s28 =	simm.s32 $_size_execute0_lowered;
	s5 =	sadd.s32 s5, s6;
	[dreg:$0x0] =	wrdreg $0x0  }
0xaa: {  	s6 =	sshll.u32 s28, $0x1;
	[dreg:$0x2] =	wrdreg s5  }
0xab: {  	[dreg:$0x3] =	wrdreg s6  }
0xac: {  	[dreg:$0x4] =	wrdreg $0xC0  }
0xad: {  	_ =	task [dreg:s9], $0x5FFFF  }
0xae: {  	[dreg:$0x1] =	wrdreg $0xFFFFFFFF  }
0xaf: {  	[dreg:$0x0] =	wrdreg $0x60  }
0xb0: {  	[dreg:$0x2] =	wrdreg s19  }
0xb1: {  	[dreg:$0x3] =	wrdreg s2  }
0xb2: {  	[dreg:$0x4] =	wrdreg s4  }
0xb3: {  	[dreg:$0x5] =	wrdreg $0x9  }
0xb4: {  	_ =	task.clear_ibuf [dreg:s9], $0x6FFFF;
	_ =	strace $0x90000046  }
0xb5: {  	s29 =	simm.s32 $0x9;
	_ =	strace $0x80000048  }
0xb6: {  	_ =	swait.ge [sflag:s29], $0x1  }
0xb7: {  	[sflag:s29] =	ssyncadd.s32 $0xFFFFFFFF  }
0xb8: {  	_ =	strace $0x90000048  }
0xb9: {  	_ =	sfence  }
0xba: {  	s30 =	sld [smem:$0x0];
	_ =	sdelay $0x2  }
0xbb: {  	s31 =	sshll.u32 s1, $0xD;
	s1 =	sshrl.u32 s1, $0x2  }
0xbc: {  	s3 =	sand.u32 $0x4000, s31;
	s1 =	sadd.s32 s1, s30  }
0xbd: {  	s0 =	sor.u32 s3, s0;
	s1 =	sshll.u32 s1, $0x11  }
0xbe: {  	s0 =	sor.u32 s1, s0  }
0xbf: {  	s0 =	sadd.s32 $0x8F2B, s0  }
0xc0: {  	[sflag:s0] =	ssyncadd.remote.s32 $0x1  }
0xc1: {  	_ =	sfence.sel $0xFFFF  }
0xc2: {  	[dreg:$0x0] =	wrdreg $0xFFFFFFFF;
	(pc) =	sbr.abs _section_cstart, $3  }
0xc3: {  	[dreg:$0x1] =	wrdreg $0xFFFFFFFF  }
0xc4: {  	_ =	task.clear_ibuf [dreg:s9], $0x2FFFF;
	_ =	strace $0x9FFFFFFF  }
0xc5: {  	(tm) =	ssettm $0x7FFFFFFF  }
tec
execute0_lowered:
.L_overlay_start_1:
0x0: {  	(tag) =	ssettag $0x1  }
0x1: {  	s1 =	rddreg [dreg:$0x0]  }
0x2: {  	s0 =	rddreg [dreg:$0x1]  }
0x3: {  	s5 =	rddreg [dreg:$0x2];
	s4 =	srdreg.scid  }
0x4: {  	s3 =	simm.s32 $0x0;
	s2 =	stileid.u32;
	s9 =	simm.s32 $0x7A1400  }
0x5: {  	s10 =	simm.s32 $0x200;
	s11 =	simm.s32 $0x2200;
	s12 =	simm.s32 $0x4200  }
0x6: {  	s13 =	simm.s32 $0x6200;
	s14 =	simm.s32 $0x8200;
	s15 =	simm.s32 $0xA200  }
0x7: {  	s16 =	simm.s32 $0xC200;
	s17 =	simm.s32 $0xE200;
	s18 =	simm.s32 $0x1  }
0x8: {  	s19 =	simm.s32 $0x2;
	s20 =	simm.s32 $0x3;
	s21 =	simm.s32 $0x4  }
0x9: {  	s22 =	simm.s32 $0x5;
	s23 =	simm.s32 $0x6;
	s24 =	simm.s32 $0x7  }
0xa: {  	s25 =	simm.s32 $0x8;
	s28 =	simm.s32 $0x0;
	s4 =	sand.u32 $0x1, s4  }
0xb: {  	vm0 =	vmmov $0x1;
	[smem:$0x7FF] =	sst s3;
	s7 =	sshll.u32 s2, $0x1;
	s6 =	ssub.s32 $0x2, s4  }
0xc: {  	vm1 =	vcmask $0x308;
	vm2 =	vcmask $0x70C;
	v0 =	vlaneseq.u32;
	_ =	strace $0x80000047;
	s4 =	sor.u32 s4, s7;
	s8 =	sshrl.u32 s6, $0x1  }
0xd: {  	vm3 =	vcmask $0xB10;
	vm4 =	vcmask $0xF14;
	v1 =	vmul.u32 $0x80, v0;
	s7 =	sshll.u32 s4, $0x6;
	s31 =	sshll.u32 s4, $0xC;
	s6 =	ssub.s32 s6, s8  }
0xe: {  	vm5 =	vcmask $0x1318;
	vm6 =	vcmask $0x171C;
	vm7 =	vcmask $0x1B20;
	s0 =	sadd.s32 s0, s7;
	s5 =	sadd.s32 s5, s31;
	s7 =	simm.s32 $0x9  }
0xf: {  	v2 =	vor.u32 $0x800, v1;
	v3 =	vor.u32 $0x1000, v1;
	v4 =	vor.u32 $0x1800, v1;
	s8 =	simm.s32 $0x400;
	[dreg:$0x4] =	wrdreg s0;
	s6 =	smax.u32 s6, $0x1  }
.LBB2_1:
0x10: {  	s0 =	rddreg [dreg:$0x4]  }
0x11: {  	[tilespmem:s3], [sflag:$0x9] =	stream.linear.gather [hbm4b:s0+s3], $0x200, $0x38;
	[tilespmem:$0x18200] =	vst v63  }
0x12: {  	_ =	swait.ge [sflag:s7], $0x200  }
0x13: {  	[sflag:s7] =	ssyncset.done $0x0  }
0x14: {  	[sflag:s7] =	ssyncadd.s32 $0xFFFFFE00  }
0x15: {  	v5 =	vld [tilespmem:$0x0];
	_ =	sdelay $0x4  }
0x16: {  	v5 =	vnsel vm0, $0x0, v5  }
0x17: {  	(xrf0) =	vadd.scan.msk.s32 $0xffff, v5;
	_ =	sdelay $0x5  }
0x18: {  	v5, _, _ =	vpop (xrf0)  }
0x19: {  	(v2sf) =	vpush v5, $0xF;
	_ =	sdelay $0xe  }
0x1a: {  	s2 =	spop (v2sf)  }
0x1b: {  	s0 =	sand.u32 $0xFFFFF80, s2  }
0x1c: {  	s0 =	sadd.s32 s1, s0  }
0x1d: {  	[tilespmem:s10], [sflag:$0x1] =	stream.strided.gather [hbm4b:s0+s8], $0x2000, s9, s8, $0x38;
	[tilespmem:$0x18200] =	vst v63  }
0x1e: {  	v5 =	vld [tilespmem:$0x0];
	_ =	sdelay $0x4  }
0x1f: {  	v5 =	vsel vm1, $0x0, v5  }
0x20: {  	(xrf0) =	vadd.scan.msk.s32 $0xffff, v5;
	_ =	sdelay $0x5  }
0x21: {  	v5, _, _ =	vpop (xrf0)  }
0x22: {  	(v2sf) =	vpush v5, $0xF;
	_ =	sdelay $0xe  }
0x23: {  	s3 =	spop (v2sf)  }
0x24: {  	s0 =	sand.u32 $0xFFFFF80, s3  }
0x25: {  	s0 =	sadd.s32 s1, s0  }
0x26: {  	[tilespmem:s11], [sflag:$0x2] =	stream.strided.gather [hbm4b:s0+s8], $0x2000, s9, s8, $0x38;
	[tilespmem:$0x18200] =	vst v63  }
0x27: {  	v5 =	vld [tilespmem:$0x0];
	_ =	sdelay $0x4  }
0x28: {  	v5 =	vsel vm2, $0x0, v5  }
0x29: {  	(xrf0) =	vadd.scan.msk.s32 $0xffff, v5;
	_ =	sdelay $0x5  }
0x2a: {  	v5, _, _ =	vpop (xrf0)  }
0x2b: {  	(v2sf) =	vpush v5, $0xF;
	_ =	sdelay $0xe  }
0x2c: {  	s4 =	spop (v2sf)  }
0x2d: {  	s0 =	sand.u32 $0xFFFFF80, s4  }
0x2e: {  	s0 =	sadd.s32 s1, s0  }
0x2f: {  	[tilespmem:s12], [sflag:$0x3] =	stream.strided.gather [hbm4b:s0+s8], $0x2000, s9, s8, $0x38;
	[tilespmem:$0x18200] =	vst v63  }
0x30: {  	v5 =	vld [tilespmem:$0x0];
	_ =	sdelay $0x4  }
0x31: {  	v5 =	vsel vm3, $0x0, v5  }
0x32: {  	(xrf0) =	vadd.scan.msk.s32 $0xffff, v5;
	_ =	sdelay $0x5  }
0x33: {  	v5, _, _ =	vpop (xrf0)  }
0x34: {  	(v2sf) =	vpush v5, $0xF;
	_ =	sdelay $0xe  }
0x35: {  	s26 =	spop (v2sf)  }
0x36: {  	s0 =	sand.u32 $0xFFFFF80, s26  }
0x37: {  	s0 =	sadd.s32 s1, s0  }
0x38: {  	[tilespmem:s13], [sflag:$0x4] =	stream.strided.gather [hbm4b:s0+s8], $0x2000, s9, s8, $0x38;
	[tilespmem:$0x18200] =	vst v63  }
0x39: {  	v5 =	vld [tilespmem:$0x0];
	_ =	sdelay $0x4  }
0x3a: {  	v5 =	vsel vm4, $0x0, v5  }
0x3b: {  	(xrf0) =	vadd.scan.msk.s32 $0xffff, v5;
	_ =	sdelay $0x5  }
0x3c: {  	v5, _, _ =	vpop (xrf0)  }
0x3d: {  	(v2sf) =	vpush v5, $0xF;
	_ =	sdelay $0xe  }
0x3e: {  	s2 =	spop (v2sf)  }
0x3f: {  	s0 =	sand.u32 $0xFFFFF80, s2  }
0x40: {  	s0 =	sadd.s32 s1, s0  }
0x41: {  	[tilespmem:s14], [sflag:$0x5] =	stream.strided.gather [hbm4b:s0+s8], $0x2000, s9, s8, $0x38;
	[tilespmem:$0x18200] =	vst v63  }
0x42: {  	v5 =	vld [tilespmem:$0x0];
	_ =	sdelay $0x4  }
0x43: {  	v5 =	vsel vm5, $0x0, v5  }
0x44: {  	(xrf0) =	vadd.scan.msk.s32 $0xffff, v5;
	_ =	sdelay $0x5  }
0x45: {  	v5, _, _ =	vpop (xrf0)  }
0x46: {  	(v2sf) =	vpush v5, $0xF;
	_ =	sdelay $0xe  }
0x47: {  	s3 =	spop (v2sf)  }
0x48: {  	s0 =	sand.u32 $0xFFFFF80, s3  }
0x49: {  	s0 =	sadd.s32 s1, s0  }
0x4a: {  	[tilespmem:s15], [sflag:$0x6] =	stream.strided.gather [hbm4b:s0+s8], $0x2000, s9, s8, $0x38;
	[tilespmem:$0x18200] =	vst v63  }
0x4b: {  	v5 =	vld [tilespmem:$0x0];
	_ =	sdelay $0x4  }
0x4c: {  	v5 =	vsel vm6, $0x0, v5  }
0x4d: {  	(xrf0) =	vadd.scan.msk.s32 $0xffff, v5;
	_ =	sdelay $0x5  }
0x4e: {  	v5, _, _ =	vpop (xrf0)  }
0x4f: {  	(v2sf) =	vpush v5, $0xF;
	_ =	sdelay $0xe  }
0x50: {  	s4 =	spop (v2sf)  }
0x51: {  	s0 =	sand.u32 $0xFFFFF80, s4  }
0x52: {  	s0 =	sadd.s32 s1, s0  }
0x53: {  	[tilespmem:s16], [sflag:$0x7] =	stream.strided.gather [hbm4b:s0+s8], $0x2000, s9, s8, $0x38;
	[tilespmem:$0x18200] =	vst v63  }
0x54: {  	v5 =	vld [tilespmem:$0x0];
	_ =	sdelay $0x4  }
0x55: {  	v5 =	vsel vm7, $0x0, v5  }
0x56: {  	(xrf0) =	vadd.scan.msk.s32 $0xffff, v5;
	_ =	sdelay $0x5  }
0x57: {  	v5, _, _ =	vpop (xrf0)  }
0x58: {  	(v2sf) =	vpush v5, $0xF;
	_ =	sdelay $0xe  }
0x59: {  	s26 =	spop (v2sf)  }
0x5a: {  	s29 =	simm.s32 $0x1C0;
	s0 =	sand.u32 $0xFFFFF80, s26  }
0x5b: {  	s30 =	simm.s32 $0x10300;
	s31 =	simm.s32 $0x0;
	s0 =	sadd.s32 s1, s0  }
0x5c: {  	[tilespmem:s17], [sflag:$0x8] =	stream.strided.gather [hbm4b:s0+s8], $0x2000, s9, s8, $0x38;
	[tilespmem:$0x18200] =	vst v63  }
.LBB2_2:
0x5d: {  	_ =	swait.ge [sflag:s18], $0x2000  }
0x5e: {  	[sflag:s18] =	ssyncset.done $0x0  }
0x5f: {  	s0 =	sand.u32 $0x1F0, s31;
	[sflag:s18] =	ssyncadd.s32 $0xFFFFE000  }
0x60: {  	v5 =	vld [tilespmem:s0+$0x0];
	_ =	sdelay $0x1  }
0x61: {  	s2 =	sand.u32 $0x8, s31  }
0x62: {  	v6 =	vmov s2  }
0x63: {  	vm8 =	veq.s32 v6, v0  }
0x64: {  	v5 =	vnsel vm8, $0x0, v5  }
0x65: {  	(xrf0) =	vadd.scan.msk.s32 $0xffff, v5;
	_ =	sdelay $0x5  }
0x66: {  	v5, _, _ =	vpop (xrf0)  }
0x67: {  	(v2sf) =	vpush v5, $0xF;
	_ =	sdelay $0xe  }
0x68: {  	s3 =	spop (v2sf)  }
0x69: {  	s2 =	sand.u32 $0x7F, s3  }
0x6a: {  	v5 =	vor.u32 s2, v1;
	_ =	sdelay $0x4  }
0x6b: {  	v5 =	vld.idx.msk [tilespmem:v5+s10+$0x0], $0xffff  }
0x6c: {  	v6 =	vor.u32 s2, v2;
	_ =	sdelay $0x3  }
0x6d: {  	[tilespmem:s30+$0xFFFFFF00] =	vst v5  }
0x6e: {  	v5 =	vld.idx.msk [tilespmem:v6+s10+$0x0], $0xffff  }
0x6f: {  	v6 =	vor.u32 s2, v3;
	_ =	sdelay $0x3  }
0x70: {  	[tilespmem:s30+$0xFFFFFF10] =	vst v5  }
0x71: {  	v5 =	vld.idx.msk [tilespmem:v6+s10+$0x0], $0xffff  }
0x72: {  	v6 =	vor.u32 s2, v4;
	_ =	sdelay $0x3  }
0x73: {  	[tilespmem:s30+$0xFFFFFF20] =	vst v5  }
0x74: {  	v5 =	vld.idx.msk [tilespmem:v6+s10+$0x0], $0xffff;
	_ =	sdelay $0x2  }
0x75: {  	s4 =	smin.u32 s31, $0x1F7  }
0x76: {  	s2 =	sadd.s32 $0x8, s4  }
0x77: {  	s26 =	sand.u32 $0x3F0, s2;
	[tilespmem:s30+$0xFFFFFF30] =	vst v5  }
0x78: {  	v5 =	vld [tilespmem:s26+$0x0];
	_ =	sdelay $0x1  }
0x79: {  	s2 =	sand.u32 $0xF, s2  }
0x7a: {  	v6 =	vmov s2  }
0x7b: {  	vm8 =	veq.s32 v6, v0  }
0x7c: {  	v5 =	vnsel vm8, $0x0, v5  }
0x7d: {  	(xrf0) =	vadd.scan.msk.s32 $0xffff, v5;
	_ =	sdelay $0x5  }
0x7e: {  	v5, _, _ =	vpop (xrf0)  }
0x7f: {  	(v2sf) =	vpush v5, $0xF;
	_ =	sdelay $0xe  }
0x80: {  	s26 =	spop (v2sf)  }
0x81: {  	s2 =	sand.u32 $0xFFFFF80, s26  }
0x82: {  	s2 =	sadd.s32 s1, s2  }
0x83: {  	[tilespmem:s10], [sflag:$0x1] =	stream.strided.gather [hbm4b:s2+s8], $0x2000, s9, s8, $0x38;
	[tilespmem:$0x18200] =	vst v63  }
0x84: {  	_ =	swait.ge [sflag:s19], $0x2000  }
0x85: {  	[sflag:s19] =	ssyncset.done $0x0  }
0x86: {  	[sflag:s19] =	ssyncadd.s32 $0xFFFFE000  }
0x87: {  	v5 =	vld [tilespmem:s0+$0x0]  }
0x88: {  	s2 =	sadd.s32 $0x1, s31  }
0x89: {  	s3 =	sand.u32 $0x9, s2  }
0x8a: {  	v6 =	vmov s3  }
0x8b: {  	vm8 =	veq.s32 v6, v0  }
0x8c: {  	v5 =	vnsel vm8, $0x0, v5  }
0x8d: {  	(xrf0) =	vadd.scan.msk.s32 $0xffff, v5;
	_ =	sdelay $0x5  }
0x8e: {  	v5, _, _ =	vpop (xrf0)  }
0x8f: {  	(v2sf) =	vpush v5, $0xF;
	_ =	sdelay $0xe  }
0x90: {  	s4 =	spop (v2sf)  }
0x91: {  	s26 =	sand.u32 $0x7F, s4  }
0x92: {  	v5 =	vor.u32 s26, v1;
	_ =	sdelay $0x4  }
0x93: {  	v5 =	vld.idx.msk [tilespmem:v5+s11+$0x0], $0xffff  }
0x94: {  	v6 =	vor.u32 s26, v2;
	_ =	sdelay $0x3  }
0x95: {  	[tilespmem:s30+$0xFFFFFF40] =	vst v5  }
0x96: {  	v5 =	vld.idx.msk [tilespmem:v6+s11+$0x0], $0xffff  }
0x97: {  	v6 =	vor.u32 s26, v3;
	_ =	sdelay $0x1  }
0x98: {  	s3 =	sadd.s32 $0xFFFFFE80, s29  }
0x99: {  	s4 =	sor.u32 $0x50, s3  }
0x9a: {  	[tilespmem:s4+$0x10200] =	vst v5  }
0x9b: {  	v5 =	vld.idx.msk [tilespmem:v6+s11+$0x0], $0xffff  }
0x9c: {  	v6 =	vor.u32 s26, v4;
	_ =	sdelay $0x2  }
0x9d: {  	s26 =	sor.u32 $0x60, s3  }
0x9e: {  	[tilespmem:s26+$0x10200] =	vst v5  }
0x9f: {  	v5 =	vld.idx.msk [tilespmem:v6+s11+$0x0], $0xffff;
	_ =	sdelay $0x2  }
0xa0: {  	s2 =	smin.u32 s2, $0x1F7  }
0xa1: {  	s2 =	sadd.s32 $0x8, s2;
	s3 =	sor.u32 $0x70, s3  }
0xa2: {  	s26 =	sand.u32 $0x3F0, s2;
	[tilespmem:s3+$0x10200] =	vst v5  }
0xa3: {  	v5 =	vld [tilespmem:s26+$0x0];
	_ =	sdelay $0x1  }
0xa4: {  	s2 =	sand.u32 $0xF, s2  }
0xa5: {  	v6 =	vmov s2  }
0xa6: {  	vm8 =	veq.s32 v6, v0  }
0xa7: {  	v5 =	vnsel vm8, $0x0, v5  }
0xa8: {  	(xrf0) =	vadd.scan.msk.s32 $0xffff, v5;
	_ =	sdelay $0x5  }
0xa9: {  	v5, _, _ =	vpop (xrf0)  }
0xaa: {  	(v2sf) =	vpush v5, $0xF;
	_ =	sdelay $0xe  }
0xab: {  	s4 =	spop (v2sf)  }
0xac: {  	s2 =	sand.u32 $0xFFFFF80, s4  }
0xad: {  	s2 =	sadd.s32 s1, s2  }
0xae: {  	[tilespmem:s11], [sflag:$0x2] =	stream.strided.gather [hbm4b:s2+s8], $0x2000, s9, s8, $0x38;
	[tilespmem:$0x18200] =	vst v63  }
0xaf: {  	_ =	swait.ge [sflag:s20], $0x2000  }
0xb0: {  	[sflag:s20] =	ssyncset.done $0x0  }
0xb1: {  	[sflag:s20] =	ssyncadd.s32 $0xFFFFE000  }
0xb2: {  	v5 =	vld [tilespmem:s0+$0x0]  }
0xb3: {  	s2 =	sadd.s32 $0x2, s31  }
0xb4: {  	s26 =	sand.u32 $0xA, s2  }
0xb5: {  	v6 =	vmov s26  }
0xb6: {  	vm8 =	veq.s32 v6, v0  }
0xb7: {  	v5 =	vnsel vm8, $0x0, v5  }
0xb8: {  	(xrf0) =	vadd.scan.msk.s32 $0xffff, v5;
	_ =	sdelay $0x5  }
0xb9: {  	v5, _, _ =	vpop (xrf0)  }
0xba: {  	(v2sf) =	vpush v5, $0xF;
	_ =	sdelay $0xe  }
0xbb: {  	s4 =	spop (v2sf)  }
0xbc: {  	s3 =	sand.u32 $0x7F, s4  }
0xbd: {  	v5 =	vor.u32 s3, v1;
	_ =	sdelay $0x4  }
0xbe: {  	v5 =	vld.idx.msk [tilespmem:v5+s12+$0x0], $0xffff  }
0xbf: {  	v6 =	vor.u32 s3, v2;
	_ =	sdelay $0x3  }
0xc0: {  	[tilespmem:s30+$0xFFFFFF80] =	vst v5  }
0xc1: {  	v5 =	vld.idx.msk [tilespmem:v6+s12+$0x0], $0xffff  }
0xc2: {  	v6 =	vor.u32 s3, v3;
	_ =	sdelay $0x3  }
0xc3: {  	[tilespmem:s30+$0xFFFFFF90] =	vst v5  }
0xc4: {  	v5 =	vld.idx.msk [tilespmem:v6+s12+$0x0], $0xffff  }
0xc5: {  	v6 =	vor.u32 s3, v4;
	_ =	sdelay $0x3  }
0xc6: {  	[tilespmem:s30+$0xFFFFFFA0] =	vst v5  }
0xc7: {  	v5 =	vld.idx.msk [tilespmem:v6+s12+$0x0], $0xffff;
	_ =	sdelay $0x2  }
0xc8: {  	s2 =	smin.u32 s2, $0x1F7  }
0xc9: {  	s2 =	sadd.s32 $0x8, s2  }
0xca: {  	s26 =	sand.u32 $0x3F0, s2;
	[tilespmem:s30+$0xFFFFFFB0] =	vst v5  }
0xcb: {  	v5 =	vld [tilespmem:s26+$0x0];
	_ =	sdelay $0x1  }
0xcc: {  	s2 =	sand.u32 $0xF, s2  }
0xcd: {  	v6 =	vmov s2  }
0xce: {  	vm8 =	veq.s32 v6, v0  }
0xcf: {  	v5 =	vnsel vm8, $0x0, v5  }
0xd0: {  	(xrf0) =	vadd.scan.msk.s32 $0xffff, v5;
	_ =	sdelay $0x5  }
0xd1: {  	v5, _, _ =	vpop (xrf0)  }
0xd2: {  	(v2sf) =	vpush v5, $0xF;
	_ =	sdelay $0xe  }
0xd3: {  	s4 =	spop (v2sf)  }
0xd4: {  	s2 =	sand.u32 $0xFFFFF80, s4  }
0xd5: {  	s2 =	sadd.s32 s1, s2  }
0xd6: {  	[tilespmem:s12], [sflag:$0x3] =	stream.strided.gather [hbm4b:s2+s8], $0x2000, s9, s8, $0x38;
	[tilespmem:$0x18200] =	vst v63  }
0xd7: {  	_ =	swait.ge [sflag:s21], $0x2000  }
0xd8: {  	[sflag:s21] =	ssyncset.done $0x0  }
0xd9: {  	[sflag:s21] =	ssyncadd.s32 $0xFFFFE000  }
0xda: {  	v5 =	vld [tilespmem:s0+$0x0]  }
0xdb: {  	s2 =	sadd.s32 $0x3, s31  }
0xdc: {  	s26 =	sand.u32 $0xB, s2  }
0xdd: {  	v6 =	vmov s26  }
0xde: {  	vm8 =	veq.s32 v6, v0  }
0xdf: {  	v5 =	vnsel vm8, $0x0, v5  }
0xe0: {  	(xrf0) =	vadd.scan.msk.s32 $0xffff, v5;
	_ =	sdelay $0x5  }
0xe1: {  	v5, _, _ =	vpop (xrf0)  }
0xe2: {  	(v2sf) =	vpush v5, $0xF;
	_ =	sdelay $0xe  }
0xe3: {  	s4 =	spop (v2sf)  }
0xe4: {  	s3 =	sand.u32 $0x7F, s4  }
0xe5: {  	v5 =	vor.u32 s3, v1;
	_ =	sdelay $0x4  }
0xe6: {  	v5 =	vld.idx.msk [tilespmem:v5+s13+$0x0], $0xffff  }
0xe7: {  	v6 =	vor.u32 s3, v2;
	_ =	sdelay $0x3  }
0xe8: {  	[tilespmem:s30+$0xFFFFFFC0] =	vst v5  }
0xe9: {  	v5 =	vld.idx.msk [tilespmem:v6+s13+$0x0], $0xffff  }
0xea: {  	v6 =	vor.u32 s3, v3;
	_ =	sdelay $0x1  }
0xeb: {  	s4 =	sadd.s32 $0xFFFFFF00, s29  }
0xec: {  	s26 =	sor.u32 $0x50, s4  }
0xed: {  	[tilespmem:s26+$0x10200] =	vst v5  }
0xee: {  	v5 =	vld.idx.msk [tilespmem:v6+s13+$0x0], $0xffff  }
0xef: {  	v6 =	vor.u32 s3, v4;
	_ =	sdelay $0x2  }
0xf0: {  	s26 =	sor.u32 $0x60, s4  }
0xf1: {  	[tilespmem:s26+$0x10200] =	vst v5  }
0xf2: {  	v5 =	vld.idx.msk [tilespmem:v6+s13+$0x0], $0xffff;
	_ =	sdelay $0x2  }
0xf3: {  	s2 =	smin.u32 s2, $0x1F7  }
0xf4: {  	s2 =	sadd.s32 $0x8, s2;
	s4 =	sor.u32 $0x70, s4  }
0xf5: {  	s26 =	sand.u32 $0x3F0, s2;
	[tilespmem:s4+$0x10200] =	vst v5  }
0xf6: {  	v5 =	vld [tilespmem:s26+$0x0];
	_ =	sdelay $0x1  }
0xf7: {  	s2 =	sand.u32 $0xF, s2  }
0xf8: {  	v6 =	vmov s2  }
0xf9: {  	vm8 =	veq.s32 v6, v0  }
0xfa: {  	v5 =	vnsel vm8, $0x0, v5  }
0xfb: {  	(xrf0) =	vadd.scan.msk.s32 $0xffff, v5;
	_ =	sdelay $0x5  }
0xfc: {  	v5, _, _ =	vpop (xrf0)  }
0xfd: {  	(v2sf) =	vpush v5, $0xF;
	_ =	sdelay $0xe  }
0xfe: {  	s4 =	spop (v2sf)  }
0xff: {  	s2 =	sand.u32 $0xFFFFF80, s4  }
0x100: {  	s2 =	sadd.s32 s1, s2  }
0x101: {  	[tilespmem:s13], [sflag:$0x4] =	stream.strided.gather [hbm4b:s2+s8], $0x2000, s9, s8, $0x38;
	[tilespmem:$0x18200] =	vst v63  }
0x102: {  	_ =	swait.ge [sflag:s22], $0x2000  }
0x103: {  	[sflag:s22] =	ssyncset.done $0x0  }
0x104: {  	[sflag:s22] =	ssyncadd.s32 $0xFFFFE000  }
0x105: {  	v5 =	vld [tilespmem:s0+$0x0]  }
0x106: {  	s2 =	sadd.s32 $0x4, s31  }
0x107: {  	s26 =	sand.u32 $0xC, s2  }
0x108: {  	v6 =	vmov s26  }
0x109: {  	vm8 =	veq.s32 v6, v0  }
0x10a: {  	v5 =	vnsel vm8, $0x0, v5  }
0x10b: {  	(xrf0) =	vadd.scan.msk.s32 $0xffff, v5;
	_ =	sdelay $0x5  }
0x10c: {  	v5, _, _ =	vpop (xrf0)  }
0x10d: {  	(v2sf) =	vpush v5, $0xF;
	_ =	sdelay $0xe  }
0x10e: {  	s4 =	spop (v2sf)  }
0x10f: {  	s3 =	sand.u32 $0x7F, s4  }
0x110: {  	v5 =	vor.u32 s3, v1;
	_ =	sdelay $0x4  }
0x111: {  	v5 =	vld.idx.msk [tilespmem:v5+s14+$0x0], $0xffff  }
0x112: {  	v6 =	vor.u32 s3, v2;
	_ =	sdelay $0x3  }
0x113: {  	[tilespmem:s30+$0x0] =	vst v5  }
0x114: {  	v5 =	vld.idx.msk [tilespmem:v6+s14+$0x0], $0xffff  }
0x115: {  	v6 =	vor.u32 s3, v3;
	_ =	sdelay $0x3  }
0x116: {  	[tilespmem:s30+$0x10] =	vst v5  }
0x117: {  	v5 =	vld.idx.msk [tilespmem:v6+s14+$0x0], $0xffff  }
0x118: {  	v6 =	vor.u32 s3, v4;
	_ =	sdelay $0x3  }
0x119: {  	[tilespmem:s30+$0x20] =	vst v5  }
0x11a: {  	v5 =	vld.idx.msk [tilespmem:v6+s14+$0x0], $0xffff;
	_ =	sdelay $0x2  }
0x11b: {  	s2 =	smin.u32 s2, $0x1F7  }
0x11c: {  	s2 =	sadd.s32 $0x8, s2  }
0x11d: {  	s26 =	sand.u32 $0x3F0, s2;
	[tilespmem:s30+$0x30] =	vst v5  }
0x11e: {  	v5 =	vld [tilespmem:s26+$0x0];
	_ =	sdelay $0x1  }
0x11f: {  	s2 =	sand.u32 $0xF, s2  }
0x120: {  	v6 =	vmov s2  }
0x121: {  	vm8 =	veq.s32 v6, v0  }
0x122: {  	v5 =	vnsel vm8, $0x0, v5  }
0x123: {  	(xrf0) =	vadd.scan.msk.s32 $0xffff, v5;
	_ =	sdelay $0x5  }
0x124: {  	v5, _, _ =	vpop (xrf0)  }
0x125: {  	(v2sf) =	vpush v5, $0xF;
	_ =	sdelay $0xe  }
0x126: {  	s4 =	spop (v2sf)  }
0x127: {  	s2 =	sand.u32 $0xFFFFF80, s4  }
0x128: {  	s2 =	sadd.s32 s1, s2  }
0x129: {  	[tilespmem:s14], [sflag:$0x5] =	stream.strided.gather [hbm4b:s2+s8], $0x2000, s9, s8, $0x38;
	[tilespmem:$0x18200] =	vst v63  }
0x12a: {  	_ =	swait.ge [sflag:s23], $0x2000  }
0x12b: {  	[sflag:s23] =	ssyncset.done $0x0  }
0x12c: {  	[sflag:s23] =	ssyncadd.s32 $0xFFFFE000  }
0x12d: {  	v5 =	vld [tilespmem:s0+$0x0]  }
0x12e: {  	s2 =	sadd.s32 $0x5, s31  }
0x12f: {  	s26 =	sand.u32 $0xD, s2  }
0x130: {  	v6 =	vmov s26  }
0x131: {  	vm8 =	veq.s32 v6, v0  }
0x132: {  	v5 =	vnsel vm8, $0x0, v5  }
0x133: {  	(xrf0) =	vadd.scan.msk.s32 $0xffff, v5;
	_ =	sdelay $0x5  }
0x134: {  	v5, _, _ =	vpop (xrf0)  }
0x135: {  	(v2sf) =	vpush v5, $0xF;
	_ =	sdelay $0xe  }
0x136: {  	s4 =	spop (v2sf)  }
0x137: {  	s3 =	sand.u32 $0x7F, s4  }
0x138: {  	v5 =	vor.u32 s3, v1;
	_ =	sdelay $0x4  }
0x139: {  	v5 =	vld.idx.msk [tilespmem:v5+s15+$0x0], $0xffff  }
0x13a: {  	v6 =	vor.u32 s3, v2;
	_ =	sdelay $0x3  }
0x13b: {  	[tilespmem:s30+$0x40] =	vst v5  }
0x13c: {  	v5 =	vld.idx.msk [tilespmem:v6+s15+$0x0], $0xffff  }
0x13d: {  	v6 =	vor.u32 s3, v3;
	_ =	sdelay $0x1  }
0x13e: {  	s4 =	sadd.s32 $0xFFFFFF80, s29  }
0x13f: {  	s26 =	sor.u32 $0x50, s4  }
0x140: {  	[tilespmem:s26+$0x10200] =	vst v5  }
0x141: {  	v5 =	vld.idx.msk [tilespmem:v6+s15+$0x0], $0xffff  }
0x142: {  	v6 =	vor.u32 s3, v4;
	_ =	sdelay $0x2  }
0x143: {  	s26 =	sor.u32 $0x60, s4  }
0x144: {  	[tilespmem:s26+$0x10200] =	vst v5  }
0x145: {  	v5 =	vld.idx.msk [tilespmem:v6+s15+$0x0], $0xffff;
	_ =	sdelay $0x2  }
0x146: {  	s2 =	smin.u32 s2, $0x1F7  }
0x147: {  	s2 =	sadd.s32 $0x8, s2;
	s4 =	sor.u32 $0x70, s4  }
0x148: {  	s26 =	sand.u32 $0x3F0, s2;
	[tilespmem:s4+$0x10200] =	vst v5  }
0x149: {  	v5 =	vld [tilespmem:s26+$0x0];
	_ =	sdelay $0x1  }
0x14a: {  	s2 =	sand.u32 $0xF, s2  }
0x14b: {  	v6 =	vmov s2  }
0x14c: {  	vm8 =	veq.s32 v6, v0  }
0x14d: {  	v5 =	vnsel vm8, $0x0, v5  }
0x14e: {  	(xrf0) =	vadd.scan.msk.s32 $0xffff, v5;
	_ =	sdelay $0x5  }
0x14f: {  	v5, _, _ =	vpop (xrf0)  }
0x150: {  	(v2sf) =	vpush v5, $0xF;
	_ =	sdelay $0xe  }
0x151: {  	s4 =	spop (v2sf)  }
0x152: {  	s2 =	sand.u32 $0xFFFFF80, s4  }
0x153: {  	s2 =	sadd.s32 s1, s2  }
0x154: {  	[tilespmem:s15], [sflag:$0x6] =	stream.strided.gather [hbm4b:s2+s8], $0x2000, s9, s8, $0x38;
	[tilespmem:$0x18200] =	vst v63  }
0x155: {  	_ =	swait.ge [sflag:s24], $0x2000  }
0x156: {  	[sflag:s24] =	ssyncset.done $0x0  }
0x157: {  	[sflag:s24] =	ssyncadd.s32 $0xFFFFE000  }
0x158: {  	v5 =	vld [tilespmem:s0+$0x0]  }
0x159: {  	s2 =	sadd.s32 $0x6, s31  }
0x15a: {  	s26 =	sand.u32 $0xE, s2  }
0x15b: {  	v6 =	vmov s26  }
0x15c: {  	vm8 =	veq.s32 v6, v0  }
0x15d: {  	v5 =	vnsel vm8, $0x0, v5  }
0x15e: {  	(xrf0) =	vadd.scan.msk.s32 $0xffff, v5;
	_ =	sdelay $0x5  }
0x15f: {  	v5, _, _ =	vpop (xrf0)  }
0x160: {  	(v2sf) =	vpush v5, $0xF;
	_ =	sdelay $0xe  }
0x161: {  	s4 =	spop (v2sf)  }
0x162: {  	s3 =	sand.u32 $0x7F, s4  }
0x163: {  	v5 =	vor.u32 s3, v1;
	_ =	sdelay $0x4  }
0x164: {  	v5 =	vld.idx.msk [tilespmem:v5+s16+$0x0], $0xffff  }
0x165: {  	v6 =	vor.u32 s3, v2;
	_ =	sdelay $0x3  }
0x166: {  	[tilespmem:s30+$0x80] =	vst v5  }
0x167: {  	v5 =	vld.idx.msk [tilespmem:v6+s16+$0x0], $0xffff  }
0x168: {  	v6 =	vor.u32 s3, v3;
	_ =	sdelay $0x3  }
0x169: {  	[tilespmem:s30+$0x90] =	vst v5  }
0x16a: {  	v5 =	vld.idx.msk [tilespmem:v6+s16+$0x0], $0xffff  }
0x16b: {  	v6 =	vor.u32 s3, v4;
	_ =	sdelay $0x3  }
0x16c: {  	[tilespmem:s30+$0xA0] =	vst v5  }
0x16d: {  	v5 =	vld.idx.msk [tilespmem:v6+s16+$0x0], $0xffff;
	_ =	sdelay $0x2  }
0x16e: {  	s2 =	smin.u32 s2, $0x1F7  }
0x16f: {  	s2 =	sadd.s32 $0x8, s2  }
0x170: {  	s26 =	sand.u32 $0x3F0, s2;
	[tilespmem:s30+$0xB0] =	vst v5  }
0x171: {  	v5 =	vld [tilespmem:s26+$0x0];
	_ =	sdelay $0x1  }
0x172: {  	s2 =	sand.u32 $0xF, s2  }
0x173: {  	v6 =	vmov s2  }
0x174: {  	vm8 =	veq.s32 v6, v0  }
0x175: {  	v5 =	vnsel vm8, $0x0, v5  }
0x176: {  	(xrf0) =	vadd.scan.msk.s32 $0xffff, v5;
	_ =	sdelay $0x5  }
0x177: {  	v5, _, _ =	vpop (xrf0)  }
0x178: {  	(v2sf) =	vpush v5, $0xF;
	_ =	sdelay $0xe  }
0x179: {  	s4 =	spop (v2sf)  }
0x17a: {  	s2 =	sand.u32 $0xFFFFF80, s4  }
0x17b: {  	s2 =	sadd.s32 s1, s2  }
0x17c: {  	[tilespmem:s16], [sflag:$0x7] =	stream.strided.gather [hbm4b:s2+s8], $0x2000, s9, s8, $0x38;
	[tilespmem:$0x18200] =	vst v63  }
0x17d: {  	_ =	swait.ge [sflag:s25], $0x2000  }
0x17e: {  	[sflag:s25] =	ssyncset.done $0x0  }
0x17f: {  	[sflag:s25] =	ssyncadd.s32 $0xFFFFE000  }
0x180: {  	v5 =	vld [tilespmem:s0+$0x0]  }
0x181: {  	s0 =	sadd.s32 $0x7, s31  }
0x182: {  	s26 =	sand.u32 $0xF, s0  }
0x183: {  	v6 =	vmov s26  }
0x184: {  	vm8 =	veq.s32 v6, v0  }
0x185: {  	v5 =	vnsel vm8, $0x0, v5  }
0x186: {  	(xrf0) =	vadd.scan.msk.s32 $0xffff, v5;
	_ =	sdelay $0x5  }
0x187: {  	v5, _, _ =	vpop (xrf0)  }
0x188: {  	(v2sf) =	vpush v5, $0xF;
	_ =	sdelay $0xe  }
0x189: {  	s3 =	spop (v2sf)  }
0x18a: {  	s2 =	sand.u32 $0x7F, s3  }
0x18b: {  	v5 =	vor.u32 s2, v1;
	_ =	sdelay $0x4  }
0x18c: {  	v5 =	vld.idx.msk [tilespmem:v5+s17+$0x0], $0xffff  }
0x18d: {  	v6 =	vor.u32 s2, v2;
	_ =	sdelay $0x3  }
0x18e: {  	[tilespmem:s30+$0xC0] =	vst v5  }
0x18f: {  	v5 =	vld.idx.msk [tilespmem:v6+s17+$0x0], $0xffff  }
0x190: {  	v6 =	vor.u32 s2, v3;
	_ =	sdelay $0x2  }
0x191: {  	s4 =	sor.u32 $0x50, s29  }
0x192: {  	[tilespmem:s4+$0x10200] =	vst v5  }
0x193: {  	v5 =	vld.idx.msk [tilespmem:v6+s17+$0x0], $0xffff  }
0x194: {  	v6 =	vor.u32 s2, v4;
	_ =	sdelay $0x2  }
0x195: {  	s26 =	sor.u32 $0x60, s29  }
0x196: {  	[tilespmem:s26+$0x10200] =	vst v5  }
0x197: {  	v5 =	vld.idx.msk [tilespmem:v6+s17+$0x0], $0xffff;
	_ =	sdelay $0x2  }
0x198: {  	s0 =	smin.u32 s0, $0x1F7  }
0x199: {  	s0 =	sadd.s32 $0x8, s0;
	s3 =	sor.u32 $0x70, s29  }
0x19a: {  	s4 =	sand.u32 $0x3F0, s0;
	[tilespmem:s3+$0x10200] =	vst v5  }
0x19b: {  	v5 =	vld [tilespmem:s4+$0x0];
	_ =	sdelay $0x1  }
0x19c: {  	s0 =	sand.u32 $0xF, s0  }
0x19d: {  	v6 =	vmov s0  }
0x19e: {  	vm8 =	veq.s32 v6, v0  }
0x19f: {  	v5 =	vnsel vm8, $0x0, v5  }
0x1a0: {  	(xrf0) =	vadd.scan.msk.s32 $0xffff, v5;
	_ =	sdelay $0x5  }
0x1a1: {  	v5, _, _ =	vpop (xrf0)  }
0x1a2: {  	(v2sf) =	vpush v5, $0xF;
	_ =	sdelay $0xc  }
0x1a3: {  	p0 =	sne.s32 s31, $0x1F8  }
.Ltmp0:
0x1a4: {  	_ = 	snop;
	(pc) =	sbr.rel @p0 .LBB2_2-.Ltmp0, $4  }
0x1a5: {  	s26 =	spop (v2sf)  }
0x1a6: {  	s31 =	sadd.s32 $0x8, s31;
	s0 =	sand.u32 $0xFFFFF80, s26  }
0x1a7: {  	s29 =	sadd.s32 $0x200, s29;
	s30 =	sadd.s32 $0x200, s30;
	s0 =	sadd.s32 s1, s0  }
0x1a8: {  	[tilespmem:s17], [sflag:$0x8] =	stream.strided.gather [hbm4b:s0+s8], $0x2000, s9, s8, $0x38;
	[tilespmem:$0x18200] =	vst v63  }
0x1a9: {  	_ =	swait.ge [sflag:s18], $0x2000  }
0x1aa: {  	[sflag:s18] =	ssyncset.done $0x0  }
0x1ab: {  	[sflag:s18] =	ssyncadd.s32 $0xFFFFE000  }
0x1ac: {  	_ =	swait.ge [sflag:s19], $0x2000  }
0x1ad: {  	[sflag:s19] =	ssyncset.done $0x0  }
0x1ae: {  	[sflag:s19] =	ssyncadd.s32 $0xFFFFE000  }
0x1af: {  	_ =	swait.ge [sflag:s20], $0x2000  }
0x1b0: {  	[sflag:s20] =	ssyncset.done $0x0  }
0x1b1: {  	[sflag:s20] =	ssyncadd.s32 $0xFFFFE000  }
0x1b2: {  	_ =	swait.ge [sflag:s21], $0x2000  }
0x1b3: {  	[sflag:s21] =	ssyncset.done $0x0  }
0x1b4: {  	[sflag:s21] =	ssyncadd.s32 $0xFFFFE000  }
0x1b5: {  	_ =	swait.ge [sflag:s22], $0x2000  }
0x1b6: {  	[sflag:s22] =	ssyncset.done $0x0  }
0x1b7: {  	[sflag:s22] =	ssyncadd.s32 $0xFFFFE000  }
0x1b8: {  	_ =	swait.ge [sflag:s23], $0x2000  }
0x1b9: {  	[sflag:s23] =	ssyncset.done $0x0  }
0x1ba: {  	[sflag:s23] =	ssyncadd.s32 $0xFFFFE000  }
0x1bb: {  	_ =	swait.ge [sflag:s24], $0x2000  }
0x1bc: {  	[sflag:s24] =	ssyncset.done $0x0  }
0x1bd: {  	[sflag:s24] =	ssyncadd.s32 $0xFFFFE000  }
0x1be: {  	s28 =	sadd.s32 $0x1, s28;
	_ =	swait.ge [sflag:s25], $0x2000  }
0x1bf: {  	s3 =	simm.s32 $0x0;
	p0 =	sne.s32 s28, s6;
	[sflag:s25] =	ssyncset.done $0x0  }
.Ltmp1:
0x1c0: {  	s0 =	simm.s32 $0x10200;
	[sflag:s25] =	ssyncadd.s32 $0xFFFFE000;
	(pc) =	sbr.rel @p0 .LBB2_1-.Ltmp1, $4  }
0x1c1: {  	[hbm4b:s5+s3] =	stream.linear.scatter [tilespmem:s0], [sflag:$0x9], $0x8000, $0x38;
	[tilespmem:$0x18200] =	vst v63  }
0x1c2: {  	_ =	swait.ge [sflag:s7], $0x8000  }
0x1c3: {  	[sflag:s7] =	ssyncset.done $0x0  }
0x1c4: {  	[sflag:s7] =	ssyncadd.s32 $0xFFFF8000  }
0x1c5: {  	_ =	sfence.sel $0x180000  }
0x1c6: {  	[bflag:$0x0] =	sbarrier.arrive $0xFFFF  }
0x1c7: {  	_ =	strace $0x90000047  }
0x1c8: {  	s0 =	stileid.u32;
	[bflag:$0x2] =	sbarrier.arrive $0xFFFF  }
0x1c9: {  	p0 =	sne.s32 s0, $0x0;
	s0 =	rddreg [dreg:$0x3]  }
0x1ca: {  	s0 =	sadd.s32 @!p0 $0x100000, s0  }
0x1cb: {  	[sflag:s0] =	ssyncadd.tile.s32 @!p0 $0x1;
	_ =	shalt  }
.Lfunc_end2:
_tile_overlayer_lowered:
.L_overlay_start_2:
0x1cc: {  	(tag) =	ssettag $0x2  }
0x1cd: {  	s0 =	rddreg [dreg:$0x0];
	s2 =	stileid.u32  }
0x1ce: {  	s1 =	rddreg [dreg:$0x1];
	p0 =	sne.s32 s2, $0x0  }
0x1cf: {  	s3 =	rddreg [dreg:$0x2];
	[bflag:$0x3] =	sbarrier.arrive $0xFFFF;
	s2 =	simm.s32 @!p0 $0x1C09  }
0x1d0: {  	[timem:s3], [sflag:s2] =	dma.local @!p0 [hbm:s0], s1  }
0x1d1: {  	s0 =	simm.s32 @!p0 $0x9  }
0x1d2: {  	_ =	swait.ge @!p0 [sflag:s0], s1  }
0x1d3: {  	s1 =	ssub.s32 @!p0 $0x0, s1;
	[sflag:s0] =	ssyncset.done @!p0 $0x0  }
0x1d4: {  	[sflag:s0] =	ssyncadd.s32 @!p0 s1  }
0x1d5: {  	[bflag:$0x3] =	sbarrier.arrive $0xFFFF  }
0x1d6: {  	_ =	shalt  }

</sc_bundles>
